<compile_context>
chip_gen: v7x
topology: tpu7x:2x2x1
jax: 0.10.2.dev20260603
libtpu: 0.0.44.dev20260713+nightly
codegen_flags: <defaults>
</compile_context>

<pallas_src>
import jax
import jax.numpy as jnp
from jax.experimental import pallas as pl
from jax.experimental.pallas import tpu as pltpu

_N = 2000
_CHUNK = 200
_GRID = 10
_M = 500
_MPAD = 512
_TPAD = 16
_RPAD = 128


def _flags_body(pb_ref, plab_ref, tbt_ref, tlab_ref, flag_ref):
    acc = jnp.zeros((_CHUNK, _MPAD), dtype=jnp.bool_)
    for c in range(3):
        px0 = pb_ref[c, :, 0:1]
        py0 = pb_ref[c, :, 1:2]
        px1 = pb_ref[c, :, 2:3]
        py1 = pb_ref[c, :, 3:4]
        tx0 = tbt_ref[c, 0:1, :]
        ty0 = tbt_ref[c, 1:2, :]
        tx1 = tbt_ref[c, 2:3, :]
        ty1 = tbt_ref[c, 3:4, :]
        area_p = (px1 - px0) * (py1 - py0)
        area_t = (tx1 - tx0) * (ty1 - ty0)
        w = jnp.minimum(px1, tx1) - jnp.maximum(px0, tx0)
        h = jnp.minimum(py1, ty1) - jnp.maximum(py0, ty0)
        inter = w * h
        asum = area_p + area_t
        lm = plab_ref[c, :, 0:1] == tlab_ref[c, 0:1, :]
        valid = (w > 0.0) & (h > 0.0) & (inter * 3.0 >= asum * (1.0 - 1e-5)) & lm
        acc = jnp.logical_or(acc, valid)
    flag_ref[...] = jnp.any(acc, axis=1, keepdims=True).astype(jnp.int32)


def _scan_body(flag_ref, coords_ref, tbt_ref, tlabf_ref, thr_ref, rec_ref,
               out_ref, pos_s, matched_s, ctp_s, acc_s):
    matched_s[...] = jnp.zeros_like(matched_s)
    ctp_s[...] = jnp.zeros_like(ctp_s)
    acc_s[...] = jnp.zeros_like(acc_s)

    def comp(i, k):
        def app(kk):
            pos_s[kk] = i
            return kk + 1
        return jax.lax.cond(flag_ref[i] > 0, app, lambda kk: kk, k)

    num = jax.lax.fori_loop(0, _N, comp, 0)

    thr = thr_ref[...]
    rec = rec_ref[...]
    lane = jax.lax.broadcasted_iota(jnp.int32, (1, 1, _MPAD), 2)
    tx0 = tbt_ref[:, 0:1, :]
    ty0 = tbt_ref[:, 1:2, :]
    tx1 = tbt_ref[:, 2:3, :]
    ty1 = tbt_ref[:, 3:4, :]
    area_t = (tx1 - tx0) * (ty1 - ty0)
    tl = tlabf_ref[...]

    def step(k, _):
        p = pos_s[k]
        tile = coords_ref[p]
        px0 = tile[0:3, 0:1].reshape(3, 1, 1)
        py0 = tile[0:3, 1:2].reshape(3, 1, 1)
        px1 = tile[0:3, 2:3].reshape(3, 1, 1)
        py1 = tile[0:3, 3:4].reshape(3, 1, 1)
        lab = tile[0:3, 4:5].reshape(3, 1, 1)
        area_p = (px1 - px0) * (py1 - py0)
        w = jnp.clip(jnp.minimum(px1, tx1) - jnp.maximum(px0, tx0), 0.0)
        h = jnp.clip(jnp.minimum(py1, ty1) - jnp.maximum(py0, ty0), 0.0)
        inter = w * h
        union = area_p + area_t - inter
        iou = inter / jnp.maximum(union, 1e-9)
        iou_m = jnp.where(lab == tl, iou, -1.0)
        matched = matched_s[...]
        avail = jnp.logical_and(iou_m >= thr, matched < 0.5)
        masked = jnp.where(avail, jnp.broadcast_to(iou_m, matched.shape), -1.0)
        bestv = jnp.max(masked, axis=2, keepdims=True)
        has = bestv > 0.0
        idxs = jnp.where(masked == bestv,
                         jnp.broadcast_to(lane, masked.shape),
                         jnp.int32(_MPAD * 2))
        besti = jnp.min(idxs, axis=2, keepdims=True)
        newm = jnp.logical_and(lane == besti, has)
        matched_s[...] = jnp.where(newm, 1.0, matched)
        ctp = ctp_s[...] + has.astype(jnp.float32)
        ctp_s[...] = ctp
        denom = (p + 1).astype(jnp.float32)
        prec = ctp / denom
        recall = ctp / float(_M)
        acc_s[...] = jnp.maximum(acc_s[...],
                                 jnp.where(recall >= rec, prec, 0.0))
        return 0

    jax.lax.fori_loop(0, num, step, 0)

    ap = jnp.sum(acc_s[:, 0:10, 0:101], axis=(1, 2)) / float(10 * 101)
    out_ref[...] = jnp.broadcast_to(ap[:, None], (3, 128))


@jax.jit
def kernel(pred_boxes, pred_scores, pred_labels, tgt_boxes, tgt_labels):
    order = jnp.argsort(-pred_scores, axis=1)
    pb = jnp.take_along_axis(pred_boxes, order[..., None], axis=1)
    plab = jnp.take_along_axis(pred_labels, order, axis=1)[..., None]
    tbt = jnp.pad(jnp.transpose(tgt_boxes, (0, 2, 1)),
                  ((0, 0), (0, 0), (0, _MPAD - _M)))
    tlab = jnp.pad(tgt_labels, ((0, 0), (0, _MPAD - _M)),
                   constant_values=-1)[:, None, :]
    thr = jnp.pad(jnp.arange(0.5, 0.999, 0.05, dtype=jnp.float32),
                  (0, _TPAD - 10), constant_values=2.0).reshape(1, _TPAD, 1)
    rec = jnp.pad(jnp.linspace(0.0, 1.0, 101, dtype=jnp.float32),
                  (0, _RPAD - 101), constant_values=2.0).reshape(1, 1, _RPAD)

    flags = pl.pallas_call(
        _flags_body,
        grid=(_GRID,),
        in_specs=[
            pl.BlockSpec((3, _CHUNK, 4), lambda i: (0, i, 0)),
            pl.BlockSpec((3, _CHUNK, 1), lambda i: (0, i, 0)),
            pl.BlockSpec((3, 4, _MPAD), lambda i: (0, 0, 0)),
            pl.BlockSpec((3, 1, _MPAD), lambda i: (0, 0, 0)),
        ],
        out_specs=pl.BlockSpec((_CHUNK, 1), lambda i: (i, 0)),
        out_shape=jax.ShapeDtypeStruct((_N, 1), jnp.int32),
    )(pb, plab, tbt, tlab)

    coords = jnp.concatenate([pb, plab.astype(jnp.float32)], axis=-1)
    coords = jnp.transpose(coords, (1, 0, 2))
    coords = jnp.pad(coords, ((0, 0), (0, 5), (0, 123)))

    out = pl.pallas_call(
        _scan_body,
        in_specs=[
            pl.BlockSpec(memory_space=pltpu.SMEM),
            pl.BlockSpec((_N, 8, 128), lambda: (0, 0, 0)),
            pl.BlockSpec((3, 4, _MPAD), lambda: (0, 0, 0)),
            pl.BlockSpec((3, 1, _MPAD), lambda: (0, 0, 0)),
            pl.BlockSpec((1, _TPAD, 1), lambda: (0, 0, 0)),
            pl.BlockSpec((1, 1, _RPAD), lambda: (0, 0, 0)),
        ],
        out_specs=pl.BlockSpec((3, 128), lambda: (0, 0)),
        out_shape=jax.ShapeDtypeStruct((3, 128), jnp.float32),
        scratch_shapes=[
            pltpu.SMEM((_N + 48,), jnp.int32),
            pltpu.VMEM((3, _TPAD, _MPAD), jnp.float32),
            pltpu.VMEM((3, _TPAD, 1), jnp.float32),
            pltpu.VMEM((3, _TPAD, _RPAD), jnp.float32),
        ],
    )(flags[:, 0], coords, tbt, tlab.astype(jnp.float32), thr, rec)
    return out[:, 0]

# --- scband reference (transcript-rebuilt; emitter-appended) ---
"""Pipeline reference for scband-obb-metrics-57947698758136 (READ-ONLY COPY).

The authoritative reference and input builder live on the scoring server;
editing this copy changes nothing except your own understanding.
"""

import jax, jax.numpy as jnp
import numpy as np

NUM_CLASSES = 50


def _make_boxes(key, cams, n):
    k1, k2 = jax.random.split(key)
    xy = jax.random.uniform(k1, (cams, n, 2)) * 450.0
    wh = jax.random.uniform(k2, (cams, n, 2)) * 60.0 + 2.0
    return jnp.concatenate([xy, xy + wh], axis=-1).astype(jnp.float32)


def setup_inputs(seed: int = 0) -> dict:
    key = jax.random.key(seed)
    ks = jax.random.split(key, 5)
    pred_boxes = _make_boxes(ks[0], 3, 2000)
    pred_scores = jax.random.uniform(ks[1], (3, 2000), dtype=jnp.float32)
    pred_labels = jax.random.randint(ks[2], (3, 2000), 0, NUM_CLASSES)
    tgt_boxes = _make_boxes(ks[3], 3, 500)
    tgt_labels = jax.random.randint(ks[4], (3, 500), 0, NUM_CLASSES)
    return {
        'pred_boxes': pred_boxes,
        'pred_scores': pred_scores,
        'pred_labels': pred_labels,
        'tgt_boxes': tgt_boxes,
        'tgt_labels': tgt_labels,
    }


def _box_iou(a, b):
    area_a = (a[:, 2] - a[:, 0]) * (a[:, 3] - a[:, 1])
    area_b = (b[:, 2] - b[:, 0]) * (b[:, 3] - b[:, 1])
    lt = jnp.maximum(a[:, None, :2], b[None, :, :2])
    rb = jnp.minimum(a[:, None, 2:], b[None, :, 2:])
    wh = jnp.clip(rb - lt, 0.0)
    inter = wh[..., 0] * wh[..., 1]
    union = area_a[:, None] + area_b[None, :] - inter
    return inter / jnp.maximum(union, 1e-9)


def _ap_single_cam(pboxes, pscores, plabels, tboxes, tlabels):
    thrs = jnp.arange(0.5, 0.999, 0.05)  # 10 COCO IoU thresholds
    N = pboxes.shape[0]
    M = tboxes.shape[0]
    T = thrs.shape[0]
    order = jnp.argsort(-pscores)
    iou = _box_iou(pboxes, tboxes)[order]                      # [N, M]
    lmatch = plabels[order][:, None] == tlabels[None, :]       # [N, M]

    def step(matched, inp):
        iou_row, lm = inp
        cand = (iou_row[None, :] >= thrs[:, None]) & lm[None, :] & (~matched)  # [T, M]
        masked = jnp.where(cand, iou_row[None, :], -1.0)
        has = cand.any(axis=1)                                  # [T]
        best = jnp.argmax(masked, axis=1)                       # [T]
        onehot = jax.nn.one_hot(best, M, dtype=bool)
        matched = matched | (onehot & has[:, None])
        return matched, has

    matched0 = jnp.zeros((T, M), dtype=bool)
    _, tp_seq = jax.lax.scan(step, matched0, (iou, lmatch))     # tp_seq [N, T]
    tp = tp_seq.T.astype(jnp.float32)                           # [T, N]
    ctp = jnp.cumsum(tp, axis=1)
    cfp = jnp.cumsum(1.0 - tp, axis=1)
    recall = ctp / M
    precision = ctp / jnp.maximum(ctp + cfp, 1e-9)
    # monotone precision envelope (reverse cumulative max)
    prec_env = jnp.flip(jax.lax.cummax(jnp.flip(precision, axis=1), axis=1), axis=1)
    rec_thrs = jnp.linspace(0.0, 1.0, 101)

    def interp(rec_row, prec_row):
        idx = jnp.searchsorted(rec_row, rec_thrs)
        return jnp.where(idx < N, prec_row[jnp.clip(idx, 0, N - 1)], 0.0)

    prec_at = jax.vmap(interp)(recall, prec_env)                # [T, 101]
    return jnp.mean(prec_at)


def reference(pred_boxes, pred_scores, pred_labels, tgt_boxes, tgt_labels):
    # per-camera COCO-style mAP (greedy IoU matching, 10 IoU thresholds,
    # 101-point precision interpolation), mirroring ObbMetrics.update_2d/compute
    map_per_cam = jax.vmap(_ap_single_cam)(
        pred_boxes, pred_scores, pred_labels, tgt_boxes, tgt_labels
    )
    return map_per_cam  # [3] -> one mAP_2D per camera name

if __name__ == "__main__":
    import jax
    _d = setup_inputs()
    print(jax.jit(kernel)(*tuple(_d.values())))

</pallas_src>

<mosaic_0001>
module attributes {stable_mosaic.version = 14 : i64} {
  func.func @_flags_body(%arg0: i32, %arg1: memref<3x200x4xf32, #tpu.memory_space<vmem>>, %arg2: memref<3x200x1xi32, #tpu.memory_space<vmem>>, %arg3: memref<3x4x512xf32, #tpu.memory_space<vmem>>, %arg4: memref<3x1x512xi32, #tpu.memory_space<vmem>>, %arg5: memref<200x1xi32, #tpu.memory_space<vmem>>) attributes {dimension_semantics = [#tpu.dimension_semantics<arbitrary>], iteration_bounds = array<i64: 10>, scalar_prefetch = 0 : i64, scratch_operands = 0 : i64, tpu.core_type = #tpu.core_type<tc>, window_params = [{transform_indices = @transform_0, window_bounds = array<i64: 3, 200, 4>}, {transform_indices = @transform_1, window_bounds = array<i64: 3, 200, 1>}, {pipeline_mode = #tpu.pipeline_mode<synchronous>, transform_indices = @transform_2, window_bounds = array<i64: 3, 4, 512>}, {pipeline_mode = #tpu.pipeline_mode<synchronous>, transform_indices = @transform_3, window_bounds = array<i64: 3, 1, 512>}, {transform_indices = @transform_4, window_bounds = array<i64: 200, 1>}]} {
    %broadcast_in_dim3A = arith.constant false
    %broadcast_in_dim3A_0 = vector.broadcast %broadcast_in_dim3A : i1 to vector<200x512xi1>
    %get3A = arith.constant 0 : index
    %get3A_1 = arith.constant 0 : index
    %get3A_2 = arith.constant 0 : index
    %get3A_3 = vector.load %arg1[%get3A, %get3A_1, %get3A_2] : memref<3x200x4xf32, #tpu.memory_space<vmem>>, vector<1x200x1xf32>
    %get3A_4 = vector.shape_cast %get3A_3 : vector<1x200x1xf32> to vector<200x1xf32>
    %get3A_5 = arith.constant 0 : index
    %get3A_6 = arith.constant 0 : index
    %get3A_7 = arith.constant 1 : index
    %get3A_8 = vector.load %arg1[%get3A_5, %get3A_6, %get3A_7] : memref<3x200x4xf32, #tpu.memory_space<vmem>>, vector<1x200x1xf32>
    %get3A_9 = vector.shape_cast %get3A_8 : vector<1x200x1xf32> to vector<200x1xf32>
    %get3A_10 = arith.constant 0 : index
    %get3A_11 = arith.constant 0 : index
    %get3A_12 = arith.constant 2 : index
    %get3A_13 = vector.load %arg1[%get3A_10, %get3A_11, %get3A_12] : memref<3x200x4xf32, #tpu.memory_space<vmem>>, vector<1x200x1xf32>
    %get3A_14 = vector.shape_cast %get3A_13 : vector<1x200x1xf32> to vector<200x1xf32>
    %get3A_15 = arith.constant 0 : index
    %get3A_16 = arith.constant 0 : index
    %get3A_17 = arith.constant 3 : index
    %get3A_18 = vector.load %arg1[%get3A_15, %get3A_16, %get3A_17] : memref<3x200x4xf32, #tpu.memory_space<vmem>>, vector<1x200x1xf32>
    %get3A_19 = vector.shape_cast %get3A_18 : vector<1x200x1xf32> to vector<200x1xf32>
    %get3A_20 = arith.constant 0 : index
    %get3A_21 = arith.constant 0 : index
    %get3A_22 = arith.constant 0 : index
    %get3A_23 = vector.load %arg3[%get3A_20, %get3A_21, %get3A_22] : memref<3x4x512xf32, #tpu.memory_space<vmem>>, vector<1x1x512xf32>
    %get3A_24 = vector.shape_cast %get3A_23 : vector<1x1x512xf32> to vector<1x512xf32>
    %get3A_25 = arith.constant 0 : index
    %get3A_26 = arith.constant 1 : index
    %get3A_27 = arith.constant 0 : index
    %get3A_28 = vector.load %arg3[%get3A_25, %get3A_26, %get3A_27] : memref<3x4x512xf32, #tpu.memory_space<vmem>>, vector<1x1x512xf32>
    %get3A_29 = vector.shape_cast %get3A_28 : vector<1x1x512xf32> to vector<1x512xf32>
    %get3A_30 = arith.constant 0 : index
    %get3A_31 = arith.constant 2 : index
    %get3A_32 = arith.constant 0 : index
    %get3A_33 = vector.load %arg3[%get3A_30, %get3A_31, %get3A_32] : memref<3x4x512xf32, #tpu.memory_space<vmem>>, vector<1x1x512xf32>
    %get3A_34 = vector.shape_cast %get3A_33 : vector<1x1x512xf32> to vector<1x512xf32>
    %get3A_35 = arith.constant 0 : index
    %get3A_36 = arith.constant 3 : index
    %get3A_37 = arith.constant 0 : index
    %get3A_38 = vector.load %arg3[%get3A_35, %get3A_36, %get3A_37] : memref<3x4x512xf32, #tpu.memory_space<vmem>>, vector<1x1x512xf32>
    %get3A_39 = vector.shape_cast %get3A_38 : vector<1x1x512xf32> to vector<1x512xf32>
    %sub3A = arith.subf %get3A_14, %get3A_4 : vector<200x1xf32>
    %sub3A_40 = arith.subf %get3A_19, %get3A_9 : vector<200x1xf32>
    %mul3A = arith.mulf %sub3A, %sub3A_40 : vector<200x1xf32>
    %sub3A_41 = arith.subf %get3A_34, %get3A_24 : vector<1x512xf32>
    %sub3A_42 = arith.subf %get3A_39, %get3A_29 : vector<1x512xf32>
    %mul3A_43 = arith.mulf %sub3A_41, %sub3A_42 : vector<1x512xf32>
    %min3A = vector.broadcast %get3A_14 : vector<200x1xf32> to vector<200x512xf32>
    %min3A_44 = vector.broadcast %get3A_34 : vector<1x512xf32> to vector<200x512xf32>
    %min3A_45 = arith.minimumf %min3A, %min3A_44 : vector<200x512xf32>
    %max3A = vector.broadcast %get3A_4 : vector<200x1xf32> to vector<200x512xf32>
    %max3A_46 = vector.broadcast %get3A_24 : vector<1x512xf32> to vector<200x512xf32>
    %max3A_47 = arith.maximumf %max3A, %max3A_46 : vector<200x512xf32>
    %sub3A_48 = arith.subf %min3A_45, %max3A_47 : vector<200x512xf32>
    %min3A_49 = vector.broadcast %get3A_19 : vector<200x1xf32> to vector<200x512xf32>
    %min3A_50 = vector.broadcast %get3A_39 : vector<1x512xf32> to vector<200x512xf32>
    %min3A_51 = arith.minimumf %min3A_49, %min3A_50 : vector<200x512xf32>
    %max3A_52 = vector.broadcast %get3A_9 : vector<200x1xf32> to vector<200x512xf32>
    %max3A_53 = vector.broadcast %get3A_29 : vector<1x512xf32> to vector<200x512xf32>
    %max3A_54 = arith.maximumf %max3A_52, %max3A_53 : vector<200x512xf32>
    %sub3A_55 = arith.subf %min3A_51, %max3A_54 : vector<200x512xf32>
    %mul3A_56 = arith.mulf %sub3A_48, %sub3A_55 : vector<200x512xf32>
    %add3A = vector.broadcast %mul3A : vector<200x1xf32> to vector<200x512xf32>
    %add3A_57 = vector.broadcast %mul3A_43 : vector<1x512xf32> to vector<200x512xf32>
    %add3A_58 = arith.addf %add3A, %add3A_57 : vector<200x512xf32>
    %get3A_59 = arith.constant 0 : index
    %get3A_60 = arith.constant 0 : index
    %get3A_61 = arith.constant 0 : index
    %get3A_62 = vector.load %arg2[%get3A_59, %get3A_60, %get3A_61] : memref<3x200x1xi32, #tpu.memory_space<vmem>>, vector<1x200x1xi32>
    %get3A_63 = vector.shape_cast %get3A_62 : vector<1x200x1xi32> to vector<200x1xi32>
    %get3A_64 = arith.constant 0 : index
    %get3A_65 = arith.constant 0 : index
    %get3A_66 = arith.constant 0 : index
    %get3A_67 = vector.load %arg4[%get3A_64, %get3A_65, %get3A_66] : memref<3x1x512xi32, #tpu.memory_space<vmem>>, vector<1x1x512xi32>
    %get3A_68 = vector.shape_cast %get3A_67 : vector<1x1x512xi32> to vector<1x512xi32>
    %eq3A = vector.broadcast %get3A_63 : vector<200x1xi32> to vector<200x512xi32>
    %eq3A_69 = vector.broadcast %get3A_68 : vector<1x512xi32> to vector<200x512xi32>
    %eq3A_70 = arith.cmpi eq, %eq3A, %eq3A_69 : vector<200x512xi32>
    %gt3A = arith.constant 0.000000e+00 : f32
    %gt3A_71 = vector.broadcast %gt3A : f32 to vector<200x512xf32>
    %gt3A_72 = arith.cmpf ogt, %sub3A_48, %gt3A_71 : vector<200x512xf32>
    %gt3A_73 = arith.constant 0.000000e+00 : f32
    %gt3A_74 = vector.broadcast %gt3A_73 : f32 to vector<200x512xf32>
    %gt3A_75 = arith.cmpf ogt, %sub3A_55, %gt3A_74 : vector<200x512xf32>
    %and3A = arith.andi %gt3A_72, %gt3A_75 : vector<200x512xi1>
    %mul3A_76 = arith.constant 3.000000e+00 : f32
    %mul3A_77 = vector.broadcast %mul3A_76 : f32 to vector<200x512xf32>
    %mul3A_78 = arith.mulf %mul3A_56, %mul3A_77 : vector<200x512xf32>
    %mul3A_79 = arith.constant 0.999989986 : f32
    %mul3A_80 = vector.broadcast %mul3A_79 : f32 to vector<200x512xf32>
    %mul3A_81 = arith.mulf %add3A_58, %mul3A_80 : vector<200x512xf32>
    %ge3A = arith.cmpf oge, %mul3A_78, %mul3A_81 : vector<200x512xf32>
    %and3A_82 = arith.andi %and3A, %ge3A : vector<200x512xi1>
    %and3A_83 = arith.andi %and3A_82, %eq3A_70 : vector<200x512xi1>
    %or3A = arith.ori %broadcast_in_dim3A_0, %and3A_83 : vector<200x512xi1>
    %get3A_84 = arith.constant 1 : index
    %get3A_85 = arith.constant 0 : index
    %get3A_86 = arith.constant 0 : index
    %get3A_87 = vector.load %arg1[%get3A_84, %get3A_85, %get3A_86] : memref<3x200x4xf32, #tpu.memory_space<vmem>>, vector<1x200x1xf32>
    %get3A_88 = vector.shape_cast %get3A_87 : vector<1x200x1xf32> to vector<200x1xf32>
    %get3A_89 = arith.constant 1 : index
    %get3A_90 = arith.constant 0 : index
    %get3A_91 = arith.constant 1 : index
    %get3A_92 = vector.load %arg1[%get3A_89, %get3A_90, %get3A_91] : memref<3x200x4xf32, #tpu.memory_space<vmem>>, vector<1x200x1xf32>
    %get3A_93 = vector.shape_cast %get3A_92 : vector<1x200x1xf32> to vector<200x1xf32>
    %get3A_94 = arith.constant 1 : index
    %get3A_95 = arith.constant 0 : index
    %get3A_96 = arith.constant 2 : index
    %get3A_97 = vector.load %arg1[%get3A_94, %get3A_95, %get3A_96] : memref<3x200x4xf32, #tpu.memory_space<vmem>>, vector<1x200x1xf32>
    %get3A_98 = vector.shape_cast %get3A_97 : vector<1x200x1xf32> to vector<200x1xf32>
    %get3A_99 = arith.constant 1 : index
    %get3A_100 = arith.constant 0 : index
    %get3A_101 = arith.constant 3 : index
    %get3A_102 = vector.load %arg1[%get3A_99, %get3A_100, %get3A_101] : memref<3x200x4xf32, #tpu.memory_space<vmem>>, vector<1x200x1xf32>
    %get3A_103 = vector.shape_cast %get3A_102 : vector<1x200x1xf32> to vector<200x1xf32>
    %get3A_104 = arith.constant 1 : index
    %get3A_105 = arith.constant 0 : index
    %get3A_106 = arith.constant 0 : index
    %get3A_107 = vector.load %arg3[%get3A_104, %get3A_105, %get3A_106] : memref<3x4x512xf32, #tpu.memory_space<vmem>>, vector<1x1x512xf32>
    %get3A_108 = vector.shape_cast %get3A_107 : vector<1x1x512xf32> to vector<1x512xf32>
    %get3A_109 = arith.constant 1 : index
    %get3A_110 = arith.constant 1 : index
    %get3A_111 = arith.constant 0 : index
    %get3A_112 = vector.load %arg3[%get3A_109, %get3A_110, %get3A_111] : memref<3x4x512xf32, #tpu.memory_space<vmem>>, vector<1x1x512xf32>
    %get3A_113 = vector.shape_cast %get3A_112 : vector<1x1x512xf32> to vector<1x512xf32>
    %get3A_114 = arith.constant 1 : index
    %get3A_115 = arith.constant 2 : index
    %get3A_116 = arith.constant 0 : index
    %get3A_117 = vector.load %arg3[%get3A_114, %get3A_115, %get3A_116] : memref<3x4x512xf32, #tpu.memory_space<vmem>>, vector<1x1x512xf32>
    %get3A_118 = vector.shape_cast %get3A_117 : vector<1x1x512xf32> to vector<1x512xf32>
    %get3A_119 = arith.constant 1 : index
    %get3A_120 = arith.constant 3 : index
    %get3A_121 = arith.constant 0 : index
    %get3A_122 = vector.load %arg3[%get3A_119, %get3A_120, %get3A_121] : memref<3x4x512xf32, #tpu.memory_space<vmem>>, vector<1x1x512xf32>
    %get3A_123 = vector.shape_cast %get3A_122 : vector<1x1x512xf32> to vector<1x512xf32>
    %sub3A_124 = arith.subf %get3A_98, %get3A_88 : vector<200x1xf32>
    %sub3A_125 = arith.subf %get3A_103, %get3A_93 : vector<200x1xf32>
    %mul3A_126 = arith.mulf %sub3A_124, %sub3A_125 : vector<200x1xf32>
    %sub3A_127 = arith.subf %get3A_118, %get3A_108 : vector<1x512xf32>
    %sub3A_128 = arith.subf %get3A_123, %get3A_113 : vector<1x512xf32>
    %mul3A_129 = arith.mulf %sub3A_127, %sub3A_128 : vector<1x512xf32>
    %min3A_130 = vector.broadcast %get3A_98 : vector<200x1xf32> to vector<200x512xf32>
    %min3A_131 = vector.broadcast %get3A_118 : vector<1x512xf32> to vector<200x512xf32>
    %min3A_132 = arith.minimumf %min3A_130, %min3A_131 : vector<200x512xf32>
    %max3A_133 = vector.broadcast %get3A_88 : vector<200x1xf32> to vector<200x512xf32>
    %max3A_134 = vector.broadcast %get3A_108 : vector<1x512xf32> to vector<200x512xf32>
    %max3A_135 = arith.maximumf %max3A_133, %max3A_134 : vector<200x512xf32>
    %sub3A_136 = arith.subf %min3A_132, %max3A_135 : vector<200x512xf32>
    %min3A_137 = vector.broadcast %get3A_103 : vector<200x1xf32> to vector<200x512xf32>
    %min3A_138 = vector.broadcast %get3A_123 : vector<1x512xf32> to vector<200x512xf32>
    %min3A_139 = arith.minimumf %min3A_137, %min3A_138 : vector<200x512xf32>
    %max3A_140 = vector.broadcast %get3A_93 : vector<200x1xf32> to vector<200x512xf32>
    %max3A_141 = vector.broadcast %get3A_113 : vector<1x512xf32> to vector<200x512xf32>
    %max3A_142 = arith.maximumf %max3A_140, %max3A_141 : vector<200x512xf32>
    %sub3A_143 = arith.subf %min3A_139, %max3A_142 : vector<200x512xf32>
    %mul3A_144 = arith.mulf %sub3A_136, %sub3A_143 : vector<200x512xf32>
    %add3A_145 = vector.broadcast %mul3A_126 : vector<200x1xf32> to vector<200x512xf32>
    %add3A_146 = vector.broadcast %mul3A_129 : vector<1x512xf32> to vector<200x512xf32>
    %add3A_147 = arith.addf %add3A_145, %add3A_146 : vector<200x512xf32>
    %get3A_148 = arith.constant 1 : index
    %get3A_149 = arith.constant 0 : index
    %get3A_150 = arith.constant 0 : index
    %get3A_151 = vector.load %arg2[%get3A_148, %get3A_149, %get3A_150] : memref<3x200x1xi32, #tpu.memory_space<vmem>>, vector<1x200x1xi32>
    %get3A_152 = vector.shape_cast %get3A_151 : vector<1x200x1xi32> to vector<200x1xi32>
    %get3A_153 = arith.constant 1 : index
    %get3A_154 = arith.constant 0 : index
    %get3A_155 = arith.constant 0 : index
    %get3A_156 = vector.load %arg4[%get3A_153, %get3A_154, %get3A_155] : memref<3x1x512xi32, #tpu.memory_space<vmem>>, vector<1x1x512xi32>
    %get3A_157 = vector.shape_cast %get3A_156 : vector<1x1x512xi32> to vector<1x512xi32>
    %eq3A_158 = vector.broadcast %get3A_152 : vector<200x1xi32> to vector<200x512xi32>
    %eq3A_159 = vector.broadcast %get3A_157 : vector<1x512xi32> to vector<200x512xi32>
    %eq3A_160 = arith.cmpi eq, %eq3A_158, %eq3A_159 : vector<200x512xi32>
    %gt3A_161 = arith.constant 0.000000e+00 : f32
    %gt3A_162 = vector.broadcast %gt3A_161 : f32 to vector<200x512xf32>
    %gt3A_163 = arith.cmpf ogt, %sub3A_136, %gt3A_162 : vector<200x512xf32>
    %gt3A_164 = arith.constant 0.000000e+00 : f32
    %gt3A_165 = vector.broadcast %gt3A_164 : f32 to vector<200x512xf32>
    %gt3A_166 = arith.cmpf ogt, %sub3A_143, %gt3A_165 : vector<200x512xf32>
    %and3A_167 = arith.andi %gt3A_163, %gt3A_166 : vector<200x512xi1>
    %mul3A_168 = arith.constant 3.000000e+00 : f32
    %mul3A_169 = vector.broadcast %mul3A_168 : f32 to vector<200x512xf32>
    %mul3A_170 = arith.mulf %mul3A_144, %mul3A_169 : vector<200x512xf32>
    %mul3A_171 = arith.constant 0.999989986 : f32
    %mul3A_172 = vector.broadcast %mul3A_171 : f32 to vector<200x512xf32>
    %mul3A_173 = arith.mulf %add3A_147, %mul3A_172 : vector<200x512xf32>
    %ge3A_174 = arith.cmpf oge, %mul3A_170, %mul3A_173 : vector<200x512xf32>
    %and3A_175 = arith.andi %and3A_167, %ge3A_174 : vector<200x512xi1>
    %and3A_176 = arith.andi %and3A_175, %eq3A_160 : vector<200x512xi1>
    %or3A_177 = arith.ori %or3A, %and3A_176 : vector<200x512xi1>
    %get3A_178 = arith.constant 2 : index
    %get3A_179 = arith.constant 0 : index
    %get3A_180 = arith.constant 0 : index
    %get3A_181 = vector.load %arg1[%get3A_178, %get3A_179, %get3A_180] : memref<3x200x4xf32, #tpu.memory_space<vmem>>, vector<1x200x1xf32>
    %get3A_182 = vector.shape_cast %get3A_181 : vector<1x200x1xf32> to vector<200x1xf32>
    %get3A_183 = arith.constant 2 : index
    %get3A_184 = arith.constant 0 : index
    %get3A_185 = arith.constant 1 : index
    %get3A_186 = vector.load %arg1[%get3A_183, %get3A_184, %get3A_185] : memref<3x200x4xf32, #tpu.memory_space<vmem>>, vector<1x200x1xf32>
    %get3A_187 = vector.shape_cast %get3A_186 : vector<1x200x1xf32> to vector<200x1xf32>
    %get3A_188 = arith.constant 2 : index
    %get3A_189 = arith.constant 0 : index
    %get3A_190 = arith.constant 2 : index
    %get3A_191 = vector.load %arg1[%get3A_188, %get3A_189, %get3A_190] : memref<3x200x4xf32, #tpu.memory_space<vmem>>, vector<1x200x1xf32>
    %get3A_192 = vector.shape_cast %get3A_191 : vector<1x200x1xf32> to vector<200x1xf32>
    %get3A_193 = arith.constant 2 : index
    %get3A_194 = arith.constant 0 : index
    %get3A_195 = arith.constant 3 : index
    %get3A_196 = vector.load %arg1[%get3A_193, %get3A_194, %get3A_195] : memref<3x200x4xf32, #tpu.memory_space<vmem>>, vector<1x200x1xf32>
    %get3A_197 = vector.shape_cast %get3A_196 : vector<1x200x1xf32> to vector<200x1xf32>
    %get3A_198 = arith.constant 2 : index
    %get3A_199 = arith.constant 0 : index
    %get3A_200 = arith.constant 0 : index
    %get3A_201 = vector.load %arg3[%get3A_198, %get3A_199, %get3A_200] : memref<3x4x512xf32, #tpu.memory_space<vmem>>, vector<1x1x512xf32>
    %get3A_202 = vector.shape_cast %get3A_201 : vector<1x1x512xf32> to vector<1x512xf32>
    %get3A_203 = arith.constant 2 : index
    %get3A_204 = arith.constant 1 : index
    %get3A_205 = arith.constant 0 : index
    %get3A_206 = vector.load %arg3[%get3A_203, %get3A_204, %get3A_205] : memref<3x4x512xf32, #tpu.memory_space<vmem>>, vector<1x1x512xf32>
    %get3A_207 = vector.shape_cast %get3A_206 : vector<1x1x512xf32> to vector<1x512xf32>
    %get3A_208 = arith.constant 2 : index
    %get3A_209 = arith.constant 2 : index
    %get3A_210 = arith.constant 0 : index
    %get3A_211 = vector.load %arg3[%get3A_208, %get3A_209, %get3A_210] : memref<3x4x512xf32, #tpu.memory_space<vmem>>, vector<1x1x512xf32>
    %get3A_212 = vector.shape_cast %get3A_211 : vector<1x1x512xf32> to vector<1x512xf32>
    %get3A_213 = arith.constant 2 : index
    %get3A_214 = arith.constant 3 : index
    %get3A_215 = arith.constant 0 : index
    %get3A_216 = vector.load %arg3[%get3A_213, %get3A_214, %get3A_215] : memref<3x4x512xf32, #tpu.memory_space<vmem>>, vector<1x1x512xf32>
    %get3A_217 = vector.shape_cast %get3A_216 : vector<1x1x512xf32> to vector<1x512xf32>
    %sub3A_218 = arith.subf %get3A_192, %get3A_182 : vector<200x1xf32>
    %sub3A_219 = arith.subf %get3A_197, %get3A_187 : vector<200x1xf32>
    %mul3A_220 = arith.mulf %sub3A_218, %sub3A_219 : vector<200x1xf32>
    %sub3A_221 = arith.subf %get3A_212, %get3A_202 : vector<1x512xf32>
    %sub3A_222 = arith.subf %get3A_217, %get3A_207 : vector<1x512xf32>
    %mul3A_223 = arith.mulf %sub3A_221, %sub3A_222 : vector<1x512xf32>
    %min3A_224 = vector.broadcast %get3A_192 : vector<200x1xf32> to vector<200x512xf32>
    %min3A_225 = vector.broadcast %get3A_212 : vector<1x512xf32> to vector<200x512xf32>
    %min3A_226 = arith.minimumf %min3A_224, %min3A_225 : vector<200x512xf32>
    %max3A_227 = vector.broadcast %get3A_182 : vector<200x1xf32> to vector<200x512xf32>
    %max3A_228 = vector.broadcast %get3A_202 : vector<1x512xf32> to vector<200x512xf32>
    %max3A_229 = arith.maximumf %max3A_227, %max3A_228 : vector<200x512xf32>
    %sub3A_230 = arith.subf %min3A_226, %max3A_229 : vector<200x512xf32>
    %min3A_231 = vector.broadcast %get3A_197 : vector<200x1xf32> to vector<200x512xf32>
    %min3A_232 = vector.broadcast %get3A_217 : vector<1x512xf32> to vector<200x512xf32>
    %min3A_233 = arith.minimumf %min3A_231, %min3A_232 : vector<200x512xf32>
    %max3A_234 = vector.broadcast %get3A_187 : vector<200x1xf32> to vector<200x512xf32>
    %max3A_235 = vector.broadcast %get3A_207 : vector<1x512xf32> to vector<200x512xf32>
    %max3A_236 = arith.maximumf %max3A_234, %max3A_235 : vector<200x512xf32>
    %sub3A_237 = arith.subf %min3A_233, %max3A_236 : vector<200x512xf32>
    %mul3A_238 = arith.mulf %sub3A_230, %sub3A_237 : vector<200x512xf32>
    %add3A_239 = vector.broadcast %mul3A_220 : vector<200x1xf32> to vector<200x512xf32>
    %add3A_240 = vector.broadcast %mul3A_223 : vector<1x512xf32> to vector<200x512xf32>
    %add3A_241 = arith.addf %add3A_239, %add3A_240 : vector<200x512xf32>
    %get3A_242 = arith.constant 2 : index
    %get3A_243 = arith.constant 0 : index
    %get3A_244 = arith.constant 0 : index
    %get3A_245 = vector.load %arg2[%get3A_242, %get3A_243, %get3A_244] : memref<3x200x1xi32, #tpu.memory_space<vmem>>, vector<1x200x1xi32>
    %get3A_246 = vector.shape_cast %get3A_245 : vector<1x200x1xi32> to vector<200x1xi32>
    %get3A_247 = arith.constant 2 : index
    %get3A_248 = arith.constant 0 : index
    %get3A_249 = arith.constant 0 : index
    %get3A_250 = vector.load %arg4[%get3A_247, %get3A_248, %get3A_249] : memref<3x1x512xi32, #tpu.memory_space<vmem>>, vector<1x1x512xi32>
    %get3A_251 = vector.shape_cast %get3A_250 : vector<1x1x512xi32> to vector<1x512xi32>
    %eq3A_252 = vector.broadcast %get3A_246 : vector<200x1xi32> to vector<200x512xi32>
    %eq3A_253 = vector.broadcast %get3A_251 : vector<1x512xi32> to vector<200x512xi32>
    %eq3A_254 = arith.cmpi eq, %eq3A_252, %eq3A_253 : vector<200x512xi32>
    %gt3A_255 = arith.constant 0.000000e+00 : f32
    %gt3A_256 = vector.broadcast %gt3A_255 : f32 to vector<200x512xf32>
    %gt3A_257 = arith.cmpf ogt, %sub3A_230, %gt3A_256 : vector<200x512xf32>
    %gt3A_258 = arith.constant 0.000000e+00 : f32
    %gt3A_259 = vector.broadcast %gt3A_258 : f32 to vector<200x512xf32>
    %gt3A_260 = arith.cmpf ogt, %sub3A_237, %gt3A_259 : vector<200x512xf32>
    %and3A_261 = arith.andi %gt3A_257, %gt3A_260 : vector<200x512xi1>
    %mul3A_262 = arith.constant 3.000000e+00 : f32
    %mul3A_263 = vector.broadcast %mul3A_262 : f32 to vector<200x512xf32>
    %mul3A_264 = arith.mulf %mul3A_238, %mul3A_263 : vector<200x512xf32>
    %mul3A_265 = arith.constant 0.999989986 : f32
    %mul3A_266 = vector.broadcast %mul3A_265 : f32 to vector<200x512xf32>
    %mul3A_267 = arith.mulf %add3A_241, %mul3A_266 : vector<200x512xf32>
    %ge3A_268 = arith.cmpf oge, %mul3A_264, %mul3A_267 : vector<200x512xf32>
    %and3A_269 = arith.andi %and3A_261, %ge3A_268 : vector<200x512xi1>
    %and3A_270 = arith.andi %and3A_269, %eq3A_254 : vector<200x512xi1>
    %or3A_271 = arith.ori %or3A_177, %and3A_270 : vector<200x512xi1>
    %reduce_or3A = arith.constant 1.000000e+00 : f32
    %reduce_or3A_272 = arith.constant 0.000000e+00 : f32
    %reduce_or3A_273 = vector.broadcast %reduce_or3A : f32 to vector<200x512xf32>
    %reduce_or3A_274 = vector.broadcast %reduce_or3A_272 : f32 to vector<200x512xf32>
    %reduce_or3A_275 = arith.select %or3A_271, %reduce_or3A_273, %reduce_or3A_274 : vector<200x512xi1>, vector<200x512xf32>
    %reduce_or3A_276 = arith.constant dense<0xFF800000> : vector<200xf32>
    %reduce_or3A_277 = vector.multi_reduction <maximumf>, %reduce_or3A_275, %reduce_or3A_276 [1] : vector<200x512xf32> to vector<200xf32>
    %reduce_or3A_278 = arith.constant 0.000000e+00 : f32
    %reduce_or3A_279 = vector.broadcast %reduce_or3A_278 : f32 to vector<200xf32>
    %reduce_or3A_280 = arith.cmpf ogt, %reduce_or3A_277, %reduce_or3A_279 : vector<200xf32>
    %broadcast_in_dim3A_281 = vector.shape_cast %reduce_or3A_280 : vector<200xi1> to vector<200x1xi1>
    %convert_element_type3A = arith.extui %broadcast_in_dim3A_281 : vector<200x1xi1> to vector<200x1xi32>
    %swap3A = arith.constant 0 : index
    %swap3A_282 = arith.constant 0 : index
    %swap3A_283 = vector.load %arg5[%swap3A, %swap3A_282] : memref<200x1xi32, #tpu.memory_space<vmem>>, vector<200x1xi32>
    tpu.vector_store %arg5[%swap3A, %swap3A_282], %convert_element_type3A {strides = array<i32>} : memref<200x1xi32, #tpu.memory_space<vmem>>, vector<200x1xi32>,
    return
  }
  func.func @transform_0(%arg0: i32) -> (i32, i32, i32) {
    %c0_i32 = arith.constant 0 : i32
    %c0_i32_0 = arith.constant 0 : i32
    %c0_i32_1 = arith.constant 0 : i32
    return %c0_i32, %arg0, %c0_i32_0 : i32, i32, i32
  }
  func.func @transform_1(%arg0: i32) -> (i32, i32, i32) {
    %c0_i32 = arith.constant 0 : i32
    %c0_i32_0 = arith.constant 0 : i32
    %c0_i32_1 = arith.constant 0 : i32
    return %c0_i32, %arg0, %c0_i32_0 : i32, i32, i32
  }
  func.func @transform_2(%arg0: i32) -> (i32, i32, i32) {
    %c0_i32 = arith.constant 0 : i32
    %c0_i32_0 = arith.constant 0 : i32
    %c0_i32_1 = arith.constant 0 : i32
    %c0_i32_2 = arith.constant 0 : i32
    return %c0_i32, %c0_i32_0, %c0_i32_1 : i32, i32, i32
  }
  func.func @transform_3(%arg0: i32) -> (i32, i32, i32) {
    %c0_i32 = arith.constant 0 : i32
    %c0_i32_0 = arith.constant 0 : i32
    %c0_i32_1 = arith.constant 0 : i32
    %c0_i32_2 = arith.constant 0 : i32
    return %c0_i32, %c0_i32_0, %c0_i32_1 : i32, i32, i32
  }
  func.func @transform_4(%arg0: i32) -> (i32, i32) {
    %c0_i32 = arith.constant 0 : i32
    %c0_i32_0 = arith.constant 0 : i32
    return %arg0, %c0_i32 : i32, i32
  }
}

module attributes {stable_mosaic.version = 14 : i64} {
  func.func @_scan_body(%arg0: memref<2000xi32, #tpu.memory_space<smem>>, %arg1: memref<2000x8x128xf32, #tpu.memory_space<vmem>>, %arg2: memref<3x4x512xf32, #tpu.memory_space<vmem>>, %arg3: memref<3x1x512xf32, #tpu.memory_space<vmem>>, %arg4: memref<1x16x1xf32, #tpu.memory_space<vmem>>, %arg5: memref<1x1x128xf32, #tpu.memory_space<vmem>>, %arg6: memref<3x128xf32, #tpu.memory_space<vmem>>, %arg7: memref<2048xi32, #tpu.memory_space<smem>>, %arg8: memref<3x16x512xf32, #tpu.memory_space<vmem>>, %arg9: memref<3x16x1xf32, #tpu.memory_space<vmem>>, %arg10: memref<3x16x128xf32, #tpu.memory_space<vmem>>) attributes {dimension_semantics = [], scalar_prefetch = 0 : i64, scratch_operands = 4 : i64, tpu.core_type = #tpu.core_type<tc>} {
    %broadcast_in_dim3A = arith.constant 0.000000e+00 : f32
    %broadcast_in_dim3A_0 = vector.broadcast %broadcast_in_dim3A : f32 to vector<3x16x512xf32>
    %swap3A = arith.constant 0 : index
    %swap3A_1 = arith.constant 0 : index
    %swap3A_2 = arith.constant 0 : index
    %swap3A_3 = vector.load %arg8[%swap3A, %swap3A_1, %swap3A_2] : memref<3x16x512xf32, #tpu.memory_space<vmem>>, vector<3x16x512xf32>
    tpu.vector_store %arg8[%swap3A, %swap3A_1, %swap3A_2], %broadcast_in_dim3A_0 {strides = array<i32>} : memref<3x16x512xf32, #tpu.memory_space<vmem>>, vector<3x16x512xf32>,
    %broadcast_in_dim3A_4 = arith.constant 0.000000e+00 : f32
    %broadcast_in_dim3A_5 = vector.broadcast %broadcast_in_dim3A_4 : f32 to vector<3x16x1xf32>
    %swap3A_6 = arith.constant 0 : index
    %swap3A_7 = arith.constant 0 : index
    %swap3A_8 = arith.constant 0 : index
    %swap3A_9 = vector.load %arg9[%swap3A_6, %swap3A_7, %swap3A_8] : memref<3x16x1xf32, #tpu.memory_space<vmem>>, vector<3x16x1xf32>
    tpu.vector_store %arg9[%swap3A_6, %swap3A_7, %swap3A_8], %broadcast_in_dim3A_5 {strides = array<i32>} : memref<3x16x1xf32, #tpu.memory_space<vmem>>, vector<3x16x1xf32>,
    %broadcast_in_dim3A_10 = arith.constant 0.000000e+00 : f32
    %broadcast_in_dim3A_11 = vector.broadcast %broadcast_in_dim3A_10 : f32 to vector<3x16x128xf32>
    %swap3A_12 = arith.constant 0 : index
    %swap3A_13 = arith.constant 0 : index
    %swap3A_14 = arith.constant 0 : index
    %swap3A_15 = vector.load %arg10[%swap3A_12, %swap3A_13, %swap3A_14] : memref<3x16x128xf32, #tpu.memory_space<vmem>>, vector<3x16x128xf32>
    tpu.vector_store %arg10[%swap3A_12, %swap3A_13, %swap3A_14], %broadcast_in_dim3A_11 {strides = array<i32>} : memref<3x16x128xf32, #tpu.memory_space<vmem>>, vector<3x16x128xf32>,
    %scan3A = arith.constant 0 : i32
    %scan3A_16 = arith.constant 0 : i32
    %scan3A_17 = arith.constant 2000 : i32
    %scan3A_18 = arith.addi %scan3A_16, %scan3A_17 : i32
    %scan3A_19 = arith.constant 1 : i32
    %scan3A_20 = scf.for %scan3A_74 = %scan3A_16 to %scan3A_18 step %scan3A_19 iter_args(%scan3A_75 = %scan3A) -> (i32)  : i32 {
      %get3A_76 = arith.index_cast %scan3A_74 : i32 to index
      %get3A_77 = memref.load %arg0[%get3A_76] : memref<2000xi32, #tpu.memory_space<smem>>
      %gt3A = arith.constant 0 : i32
      %gt3A_78 = arith.cmpi sgt, %get3A_77, %gt3A : i32
      %convert_element_type3A = arith.extui %gt3A_78 : i1 to i32
      %cond3A = arith.constant 0 : i32
      %cond3A_79 = arith.cmpi ne, %convert_element_type3A, %cond3A : i32
      %cond3A_80 = scf.if %cond3A_79 -> (i32) {
        %swap3A_81 = arith.index_cast %scan3A_75 : i32 to index
        %swap3A_82 = memref.load %arg7[%swap3A_81] : memref<2048xi32, #tpu.memory_space<smem>>
        memref.store %scan3A_74, %arg7[%swap3A_81] : memref<2048xi32, #tpu.memory_space<smem>>
        %add3A = arith.constant 1 : i32
        %add3A_83 = arith.addi %scan3A_75, %add3A : i32
        scf.yield %add3A_83 : i32
      } else {
        scf.yield %scan3A_75 : i32
      }
      scf.yield %cond3A_80 : i32
    }
    %scan3A_21 = arith.constant 2000 : i32
    %get3A = arith.constant 0 : index
    %get3A_22 = arith.constant 0 : index
    %get3A_23 = arith.constant 0 : index
    %get3A_24 = vector.load %arg4[%get3A, %get3A_22, %get3A_23] : memref<1x16x1xf32, #tpu.memory_space<vmem>>, vector<1x16x1xf32>
    %get3A_25 = arith.constant 0 : index
    %get3A_26 = arith.constant 0 : index
    %get3A_27 = arith.constant 0 : index
    %get3A_28 = vector.load %arg5[%get3A_25, %get3A_26, %get3A_27] : memref<1x1x128xf32, #tpu.memory_space<vmem>>, vector<1x1x128xf32>
    %iota3A = tpu.iota {dimensions = array<i32: 2>} : vector<1x1x512xi32>
    %get3A_29 = arith.constant 0 : index
    %get3A_30 = arith.constant 0 : index
    %get3A_31 = arith.constant 0 : index
    %get3A_32 = vector.load %arg2[%get3A_29, %get3A_30, %get3A_31] : memref<3x4x512xf32, #tpu.memory_space<vmem>>, vector<3x1x512xf32>
    %get3A_33 = arith.constant 0 : index
    %get3A_34 = arith.constant 1 : index
    %get3A_35 = arith.constant 0 : index
    %get3A_36 = vector.load %arg2[%get3A_33, %get3A_34, %get3A_35] : memref<3x4x512xf32, #tpu.memory_space<vmem>>, vector<3x1x512xf32>
    %get3A_37 = arith.constant 0 : index
    %get3A_38 = arith.constant 2 : index
    %get3A_39 = arith.constant 0 : index
    %get3A_40 = vector.load %arg2[%get3A_37, %get3A_38, %get3A_39] : memref<3x4x512xf32, #tpu.memory_space<vmem>>, vector<3x1x512xf32>
    %get3A_41 = arith.constant 0 : index
    %get3A_42 = arith.constant 3 : index
    %get3A_43 = arith.constant 0 : index
    %get3A_44 = vector.load %arg2[%get3A_41, %get3A_42, %get3A_43] : memref<3x4x512xf32, #tpu.memory_space<vmem>>, vector<3x1x512xf32>
    %sub3A = arith.subf %get3A_40, %get3A_32 : vector<3x1x512xf32>
    %sub3A_45 = arith.subf %get3A_44, %get3A_36 : vector<3x1x512xf32>
    %mul3A = arith.mulf %sub3A, %sub3A_45 : vector<3x1x512xf32>
    %get3A_46 = arith.constant 0 : index
    %get3A_47 = arith.constant 0 : index
    %get3A_48 = arith.constant 0 : index
    %get3A_49 = vector.load %arg3[%get3A_46, %get3A_47, %get3A_48] : memref<3x1x512xf32, #tpu.memory_space<vmem>>, vector<3x1x512xf32>
    %while3A = arith.constant 0 : i32
    %while3A_50 = arith.constant 0 : i32
    %while3A_51 = arith.subi %scan3A_20, %while3A : i32
    %while3A_52 = arith.addi %while3A, %while3A_51 : i32
    %while3A_53 = arith.constant 1 : i32
    %while3A_54 = arith.divsi %while3A_51, %while3A_53 : i32
    %while3A_55 = arith.muli %while3A_54, %while3A_53 : i32
    %while3A_56 = arith.addi %while3A, %while3A_55 : i32
    %while3A_57 = arith.constant 1 : i32
    %while3A_58 = scf.for %while3A_74 = %while3A to %while3A_56 step %while3A_57 iter_args(%while3A_75 = %while3A_50) -> (i32)  : i32 {
      %get3A_76 = arith.index_cast %while3A_74 : i32 to index
      %get3A_77 = memref.load %arg7[%get3A_76] : memref<2048xi32, #tpu.memory_space<smem>>
      %get3A_78 = arith.index_cast %get3A_77 : i32 to index
      %get3A_79 = arith.constant 0 : index
      %get3A_80 = arith.constant 0 : index
      %get3A_81 = vector.load %arg1[%get3A_78, %get3A_79, %get3A_80] : memref<2000x8x128xf32, #tpu.memory_space<vmem>>, vector<1x8x128xf32>
      %get3A_82 = vector.shape_cast %get3A_81 : vector<1x8x128xf32> to vector<8x128xf32>
      %slice3A = vector.extract_strided_slice %get3A_82 {offsets = [0, 0], sizes = [3, 1], strides = [1, 1]} : vector<8x128xf32> to vector<3x1xf32>
      %reshape3A = vector.shape_cast %slice3A : vector<3x1xf32> to vector<3x1x1xf32>
      %slice3A_83 = vector.extract_strided_slice %get3A_82 {offsets = [0, 1], sizes = [3, 1], strides = [1, 1]} : vector<8x128xf32> to vector<3x1xf32>
      %reshape3A_84 = vector.shape_cast %slice3A_83 : vector<3x1xf32> to vector<3x1x1xf32>
      %slice3A_85 = vector.extract_strided_slice %get3A_82 {offsets = [0, 2], sizes = [3, 1], strides = [1, 1]} : vector<8x128xf32> to vector<3x1xf32>
      %reshape3A_86 = vector.shape_cast %slice3A_85 : vector<3x1xf32> to vector<3x1x1xf32>
      %slice3A_87 = vector.extract_strided_slice %get3A_82 {offsets = [0, 3], sizes = [3, 1], strides = [1, 1]} : vector<8x128xf32> to vector<3x1xf32>
      %reshape3A_88 = vector.shape_cast %slice3A_87 : vector<3x1xf32> to vector<3x1x1xf32>
      %slice3A_89 = vector.extract_strided_slice %get3A_82 {offsets = [0, 4], sizes = [3, 1], strides = [1, 1]} : vector<8x128xf32> to vector<3x1xf32>
      %reshape3A_90 = vector.shape_cast %slice3A_89 : vector<3x1xf32> to vector<3x1x1xf32>
      %sub3A_91 = arith.subf %reshape3A_86, %reshape3A : vector<3x1x1xf32>
      %sub3A_92 = arith.subf %reshape3A_88, %reshape3A_84 : vector<3x1x1xf32>
      %mul3A_93 = arith.mulf %sub3A_91, %sub3A_92 : vector<3x1x1xf32>
      %min3A = vector.broadcast %reshape3A_86 : vector<3x1x1xf32> to vector<3x1x512xf32>
      %min3A_94 = arith.minimumf %min3A, %get3A_40 : vector<3x1x512xf32>
      %max3A = vector.broadcast %reshape3A : vector<3x1x1xf32> to vector<3x1x512xf32>
      %max3A_95 = arith.maximumf %max3A, %get3A_32 : vector<3x1x512xf32>
      %sub3A_96 = arith.subf %min3A_94, %max3A_95 : vector<3x1x512xf32>
      %jit3A = arith.constant 0.000000e+00 : f32
      %max3A_97 = vector.broadcast %jit3A : f32 to vector<3x1x512xf32>
      %max3A_98 = arith.maximumf %max3A_97, %sub3A_96 : vector<3x1x512xf32>
      %min3A_99 = vector.broadcast %reshape3A_88 : vector<3x1x1xf32> to vector<3x1x512xf32>
      %min3A_100 = arith.minimumf %min3A_99, %get3A_44 : vector<3x1x512xf32>
      %max3A_101 = vector.broadcast %reshape3A_84 : vector<3x1x1xf32> to vector<3x1x512xf32>
      %max3A_102 = arith.maximumf %max3A_101, %get3A_36 : vector<3x1x512xf32>
      %sub3A_103 = arith.subf %min3A_100, %max3A_102 : vector<3x1x512xf32>
      %jit3A_104 = arith.constant 0.000000e+00 : f32
      %max3A_105 = vector.broadcast %jit3A_104 : f32 to vector<3x1x512xf32>
      %max3A_106 = arith.maximumf %max3A_105, %sub3A_103 : vector<3x1x512xf32>
      %mul3A_107 = arith.mulf %max3A_98, %max3A_106 : vector<3x1x512xf32>
      %add3A = vector.broadcast %mul3A_93 : vector<3x1x1xf32> to vector<3x1x512xf32>
      %add3A_108 = arith.addf %add3A, %mul3A : vector<3x1x512xf32>
      %sub3A_109 = arith.subf %add3A_108, %mul3A_107 : vector<3x1x512xf32>
      %max3A_110 = arith.constant 9.99999971E-10 : f32
      %max3A_111 = vector.broadcast %max3A_110 : f32 to vector<3x1x512xf32>
      %max3A_112 = arith.maximumf %sub3A_109, %max3A_111 : vector<3x1x512xf32>
      %div3A_113 = arith.divf %mul3A_107, %max3A_112 : vector<3x1x512xf32>
      %eq3A = vector.broadcast %reshape3A_90 : vector<3x1x1xf32> to vector<3x1x512xf32>
      %eq3A_114 = arith.cmpf oeq, %eq3A, %get3A_49 : vector<3x1x512xf32>
      %jit3A_115 = arith.constant -1.000000e+00 : f32
      %broadcast_in_dim3A_116 = vector.broadcast %jit3A_115 : f32 to vector<3x1x512xf32>
      %select_n3A = arith.select %eq3A_114, %div3A_113, %broadcast_in_dim3A_116 : vector<3x1x512xi1>, vector<3x1x512xf32>
      %get3A_117 = arith.constant 0 : index
      %get3A_118 = arith.constant 0 : index
      %get3A_119 = arith.constant 0 : index
      %get3A_120 = vector.load %arg8[%get3A_117, %get3A_118, %get3A_119] : memref<3x16x512xf32, #tpu.memory_space<vmem>>, vector<3x16x512xf32>
      %ge3A = vector.broadcast %select_n3A : vector<3x1x512xf32> to vector<3x16x512xf32>
      %ge3A_121 = vector.broadcast %get3A_24 : vector<1x16x1xf32> to vector<3x16x512xf32>
      %ge3A_122 = arith.cmpf oge, %ge3A, %ge3A_121 : vector<3x16x512xf32>
      %lt3A = arith.constant 5.000000e-01 : f32
      %lt3A_123 = vector.broadcast %lt3A : f32 to vector<3x16x512xf32>
      %lt3A_124 = arith.cmpf olt, %get3A_120, %lt3A_123 : vector<3x16x512xf32>
      %and3A = arith.andi %ge3A_122, %lt3A_124 : vector<3x16x512xi1>
      %broadcast_in_dim3A_125 = vector.shape_cast %select_n3A : vector<3x1x512xf32> to vector<3x1x512xf32>
      %broadcast_in_dim3A_126 = vector.broadcast %broadcast_in_dim3A_125 : vector<3x1x512xf32> to vector<3x16x512xf32>
      %jit3A_127 = arith.constant -1.000000e+00 : f32
      %broadcast_in_dim3A_128 = vector.broadcast %jit3A_127 : f32 to vector<3x16x512xf32>
      %select_n3A_129 = arith.select %and3A, %broadcast_in_dim3A_126, %broadcast_in_dim3A_128 : vector<3x16x512xi1>, vector<3x16x512xf32>
      %reduce_max3A = arith.constant dense<0xFF800000> : vector<3x16xf32>
      %reduce_max3A_130 = vector.multi_reduction <maximumf>, %select_n3A_129, %reduce_max3A [2] : vector<3x16x512xf32> to vector<3x16xf32>
      %broadcast_in_dim3A_131 = vector.shape_cast %reduce_max3A_130 : vector<3x16xf32> to vector<3x16x1xf32>
      %gt3A = arith.constant 0.000000e+00 : f32
      %gt3A_132 = vector.broadcast %gt3A : f32 to vector<3x16x1xf32>
      %gt3A_133 = arith.cmpf ogt, %broadcast_in_dim3A_131, %gt3A_132 : vector<3x16x1xf32>
      %eq3A_134 = vector.broadcast %broadcast_in_dim3A_131 : vector<3x16x1xf32> to vector<3x16x512xf32>
      %eq3A_135 = arith.cmpf oeq, %select_n3A_129, %eq3A_134 : vector<3x16x512xf32>
      %broadcast_in_dim3A_136 = vector.shape_cast %iota3A : vector<1x1x512xi32> to vector<1x1x512xi32>
      %broadcast_in_dim3A_137 = vector.broadcast %broadcast_in_dim3A_136 : vector<1x1x512xi32> to vector<3x16x512xi32>
      %jit3A_138 = arith.constant 1024 : i32
      %broadcast_in_dim3A_139 = vector.broadcast %jit3A_138 : i32 to vector<3x16x512xi32>
      %select_n3A_140 = arith.select %eq3A_135, %broadcast_in_dim3A_137, %broadcast_in_dim3A_139 : vector<3x16x512xi1>, vector<3x16x512xi32>
      %reduce_min3A = arith.constant dense<2147483647> : vector<3x16xi32>
      %reduce_min3A_141 = vector.multi_reduction <minsi>, %select_n3A_140, %reduce_min3A [2] : vector<3x16x512xi32> to vector<3x16xi32>
      %broadcast_in_dim3A_142 = vector.shape_cast %reduce_min3A_141 : vector<3x16xi32> to vector<3x16x1xi32>
      %eq3A_143 = vector.broadcast %iota3A : vector<1x1x512xi32> to vector<3x16x512xi32>
      %eq3A_144 = vector.broadcast %broadcast_in_dim3A_142 : vector<3x16x1xi32> to vector<3x16x512xi32>
      %eq3A_145 = arith.cmpi eq, %eq3A_143, %eq3A_144 : vector<3x16x512xi32>
      %and3A_146 = vector.broadcast %gt3A_133 : vector<3x16x1xi1> to vector<3x16x512xi1>
      %and3A_147 = arith.andi %eq3A_145, %and3A_146 : vector<3x16x512xi1>
      %jit3A_148 = arith.constant 1.000000e+00 : f32
      %broadcast_in_dim3A_149 = vector.broadcast %jit3A_148 : f32 to vector<3x16x512xf32>
      %select_n3A_150 = arith.select %and3A_147, %broadcast_in_dim3A_149, %get3A_120 : vector<3x16x512xi1>, vector<3x16x512xf32>
      %swap3A_151 = arith.constant 0 : index
      %swap3A_152 = arith.constant 0 : index
      %swap3A_153 = arith.constant 0 : index
      %swap3A_154 = vector.load %arg8[%swap3A_151, %swap3A_152, %swap3A_153] : memref<3x16x512xf32, #tpu.memory_space<vmem>>, vector<3x16x512xf32>
      tpu.vector_store %arg8[%swap3A_151, %swap3A_152, %swap3A_153], %select_n3A_150 {strides = array<i32>} : memref<3x16x512xf32, #tpu.memory_space<vmem>>, vector<3x16x512xf32>,
      %get3A_155 = arith.constant 0 : index
      %get3A_156 = arith.constant 0 : index
      %get3A_157 = arith.constant 0 : index
      %get3A_158 = vector.load %arg9[%get3A_155, %get3A_156, %get3A_157] : memref<3x16x1xf32, #tpu.memory_space<vmem>>, vector<3x16x1xf32>
      %convert_element_type3A = arith.extui %gt3A_133 : vector<3x16x1xi1> to vector<3x16x1xi32>
      %convert_element_type3A_159 = arith.sitofp %convert_element_type3A : vector<3x16x1xi32> to vector<3x16x1xf32>
      %add3A_160 = arith.addf %get3A_158, %convert_element_type3A_159 : vector<3x16x1xf32>
      %swap3A_161 = arith.constant 0 : index
      %swap3A_162 = arith.constant 0 : index
      %swap3A_163 = arith.constant 0 : index
      %swap3A_164 = vector.load %arg9[%swap3A_161, %swap3A_162, %swap3A_163] : memref<3x16x1xf32, #tpu.memory_space<vmem>>, vector<3x16x1xf32>
      tpu.vector_store %arg9[%swap3A_161, %swap3A_162, %swap3A_163], %add3A_160 {strides = array<i32>} : memref<3x16x1xf32, #tpu.memory_space<vmem>>, vector<3x16x1xf32>,
      %add3A_165 = arith.constant 1 : i32
      %add3A_166 = arith.addi %get3A_77, %add3A_165 : i32
      %convert_element_type3A_167 = arith.sitofp %add3A_166 : i32 to f32
      %div3A_168 = vector.broadcast %convert_element_type3A_167 : f32 to vector<3x16x1xf32>
      %div3A_169 = arith.divf %add3A_160, %div3A_168 : vector<3x16x1xf32>
      %div3A_170 = arith.constant 5.000000e+02 : f32
      %div3A_171 = vector.broadcast %div3A_170 : f32 to vector<3x16x1xf32>
      %div3A_172 = arith.divf %add3A_160, %div3A_171 : vector<3x16x1xf32>
      %get3A_173 = arith.constant 0 : index
      %get3A_174 = arith.constant 0 : index
      %get3A_175 = arith.constant 0 : index
      %get3A_176 = vector.load %arg10[%get3A_173, %get3A_174, %get3A_175] : memref<3x16x128xf32, #tpu.memory_space<vmem>>, vector<3x16x128xf32>
      %ge3A_177 = vector.broadcast %div3A_172 : vector<3x16x1xf32> to vector<3x16x128xf32>
      %ge3A_178 = vector.broadcast %get3A_28 : vector<1x1x128xf32> to vector<3x16x128xf32>
      %ge3A_179 = arith.cmpf oge, %ge3A_177, %ge3A_178 : vector<3x16x128xf32>
      %jit3A_180 = arith.constant 0.000000e+00 : f32
      %broadcast_in_dim3A_181 = vector.shape_cast %div3A_169 : vector<3x16x1xf32> to vector<3x16x1xf32>
      %broadcast_in_dim3A_182 = vector.broadcast %broadcast_in_dim3A_181 : vector<3x16x1xf32> to vector<3x16x128xf32>
      %broadcast_in_dim3A_183 = vector.broadcast %jit3A_180 : f32 to vector<3x16x128xf32>
      %select_n3A_184 = arith.select %ge3A_179, %broadcast_in_dim3A_182, %broadcast_in_dim3A_183 : vector<3x16x128xi1>, vector<3x16x128xf32>
      %max3A_185 = arith.maximumf %get3A_176, %select_n3A_184 : vector<3x16x128xf32>
      %swap3A_186 = arith.constant 0 : index
      %swap3A_187 = arith.constant 0 : index
      %swap3A_188 = arith.constant 0 : index
      %swap3A_189 = vector.load %arg10[%swap3A_186, %swap3A_187, %swap3A_188] : memref<3x16x128xf32, #tpu.memory_space<vmem>>, vector<3x16x128xf32>
      tpu.vector_store %arg10[%swap3A_186, %swap3A_187, %swap3A_188], %max3A_185 {strides = array<i32>} : memref<3x16x128xf32, #tpu.memory_space<vmem>>, vector<3x16x128xf32>,
      %while3A_190 = arith.constant 0 : i32
      scf.yield %while3A_190 : i32
    }
    %while3A_59 = arith.constant 1 : i32
    %while3A_60 = scf.for %while3A_74 = %while3A_56 to %while3A_52 step %while3A_59 iter_args(%while3A_75 = %while3A_58) -> (i32)  : i32 {
      %get3A_76 = arith.index_cast %while3A_74 : i32 to index
      %get3A_77 = memref.load %arg7[%get3A_76] : memref<2048xi32, #tpu.memory_space<smem>>
      %get3A_78 = arith.index_cast %get3A_77 : i32 to index
      %get3A_79 = arith.constant 0 : index
      %get3A_80 = arith.constant 0 : index
      %get3A_81 = vector.load %arg1[%get3A_78, %get3A_79, %get3A_80] : memref<2000x8x128xf32, #tpu.memory_space<vmem>>, vector<1x8x128xf32>
      %get3A_82 = vector.shape_cast %get3A_81 : vector<1x8x128xf32> to vector<8x128xf32>
      %slice3A = vector.extract_strided_slice %get3A_82 {offsets = [0, 0], sizes = [3, 1], strides = [1, 1]} : vector<8x128xf32> to vector<3x1xf32>
      %reshape3A = vector.shape_cast %slice3A : vector<3x1xf32> to vector<3x1x1xf32>
      %slice3A_83 = vector.extract_strided_slice %get3A_82 {offsets = [0, 1], sizes = [3, 1], strides = [1, 1]} : vector<8x128xf32> to vector<3x1xf32>
      %reshape3A_84 = vector.shape_cast %slice3A_83 : vector<3x1xf32> to vector<3x1x1xf32>
      %slice3A_85 = vector.extract_strided_slice %get3A_82 {offsets = [0, 2], sizes = [3, 1], strides = [1, 1]} : vector<8x128xf32> to vector<3x1xf32>
      %reshape3A_86 = vector.shape_cast %slice3A_85 : vector<3x1xf32> to vector<3x1x1xf32>
      %slice3A_87 = vector.extract_strided_slice %get3A_82 {offsets = [0, 3], sizes = [3, 1], strides = [1, 1]} : vector<8x128xf32> to vector<3x1xf32>
      %reshape3A_88 = vector.shape_cast %slice3A_87 : vector<3x1xf32> to vector<3x1x1xf32>
      %slice3A_89 = vector.extract_strided_slice %get3A_82 {offsets = [0, 4], sizes = [3, 1], strides = [1, 1]} : vector<8x128xf32> to vector<3x1xf32>
      %reshape3A_90 = vector.shape_cast %slice3A_89 : vector<3x1xf32> to vector<3x1x1xf32>
      %sub3A_91 = arith.subf %reshape3A_86, %reshape3A : vector<3x1x1xf32>
      %sub3A_92 = arith.subf %reshape3A_88, %reshape3A_84 : vector<3x1x1xf32>
      %mul3A_93 = arith.mulf %sub3A_91, %sub3A_92 : vector<3x1x1xf32>
      %min3A = vector.broadcast %reshape3A_86 : vector<3x1x1xf32> to vector<3x1x512xf32>
      %min3A_94 = arith.minimumf %min3A, %get3A_40 : vector<3x1x512xf32>
      %max3A = vector.broadcast %reshape3A : vector<3x1x1xf32> to vector<3x1x512xf32>
      %max3A_95 = arith.maximumf %max3A, %get3A_32 : vector<3x1x512xf32>
      %sub3A_96 = arith.subf %min3A_94, %max3A_95 : vector<3x1x512xf32>
      %jit3A = arith.constant 0.000000e+00 : f32
      %max3A_97 = vector.broadcast %jit3A : f32 to vector<3x1x512xf32>
      %max3A_98 = arith.maximumf %max3A_97, %sub3A_96 : vector<3x1x512xf32>
      %min3A_99 = vector.broadcast %reshape3A_88 : vector<3x1x1xf32> to vector<3x1x512xf32>
      %min3A_100 = arith.minimumf %min3A_99, %get3A_44 : vector<3x1x512xf32>
      %max3A_101 = vector.broadcast %reshape3A_84 : vector<3x1x1xf32> to vector<3x1x512xf32>
      %max3A_102 = arith.maximumf %max3A_101, %get3A_36 : vector<3x1x512xf32>
      %sub3A_103 = arith.subf %min3A_100, %max3A_102 : vector<3x1x512xf32>
      %jit3A_104 = arith.constant 0.000000e+00 : f32
      %max3A_105 = vector.broadcast %jit3A_104 : f32 to vector<3x1x512xf32>
      %max3A_106 = arith.maximumf %max3A_105, %sub3A_103 : vector<3x1x512xf32>
      %mul3A_107 = arith.mulf %max3A_98, %max3A_106 : vector<3x1x512xf32>
      %add3A = vector.broadcast %mul3A_93 : vector<3x1x1xf32> to vector<3x1x512xf32>
      %add3A_108 = arith.addf %add3A, %mul3A : vector<3x1x512xf32>
      %sub3A_109 = arith.subf %add3A_108, %mul3A_107 : vector<3x1x512xf32>
      %max3A_110 = arith.constant 9.99999971E-10 : f32
      %max3A_111 = vector.broadcast %max3A_110 : f32 to vector<3x1x512xf32>
      %max3A_112 = arith.maximumf %sub3A_109, %max3A_111 : vector<3x1x512xf32>
      %div3A_113 = arith.divf %mul3A_107, %max3A_112 : vector<3x1x512xf32>
      %eq3A = vector.broadcast %reshape3A_90 : vector<3x1x1xf32> to vector<3x1x512xf32>
      %eq3A_114 = arith.cmpf oeq, %eq3A, %get3A_49 : vector<3x1x512xf32>
      %jit3A_115 = arith.constant -1.000000e+00 : f32
      %broadcast_in_dim3A_116 = vector.broadcast %jit3A_115 : f32 to vector<3x1x512xf32>
      %select_n3A = arith.select %eq3A_114, %div3A_113, %broadcast_in_dim3A_116 : vector<3x1x512xi1>, vector<3x1x512xf32>
      %get3A_117 = arith.constant 0 : index
      %get3A_118 = arith.constant 0 : index
      %get3A_119 = arith.constant 0 : index
      %get3A_120 = vector.load %arg8[%get3A_117, %get3A_118, %get3A_119] : memref<3x16x512xf32, #tpu.memory_space<vmem>>, vector<3x16x512xf32>
      %ge3A = vector.broadcast %select_n3A : vector<3x1x512xf32> to vector<3x16x512xf32>
      %ge3A_121 = vector.broadcast %get3A_24 : vector<1x16x1xf32> to vector<3x16x512xf32>
      %ge3A_122 = arith.cmpf oge, %ge3A, %ge3A_121 : vector<3x16x512xf32>
      %lt3A = arith.constant 5.000000e-01 : f32
      %lt3A_123 = vector.broadcast %lt3A : f32 to vector<3x16x512xf32>
      %lt3A_124 = arith.cmpf olt, %get3A_120, %lt3A_123 : vector<3x16x512xf32>
      %and3A = arith.andi %ge3A_122, %lt3A_124 : vector<3x16x512xi1>
      %broadcast_in_dim3A_125 = vector.shape_cast %select_n3A : vector<3x1x512xf32> to vector<3x1x512xf32>
      %broadcast_in_dim3A_126 = vector.broadcast %broadcast_in_dim3A_125 : vector<3x1x512xf32> to vector<3x16x512xf32>
      %jit3A_127 = arith.constant -1.000000e+00 : f32
      %broadcast_in_dim3A_128 = vector.broadcast %jit3A_127 : f32 to vector<3x16x512xf32>
      %select_n3A_129 = arith.select %and3A, %broadcast_in_dim3A_126, %broadcast_in_dim3A_128 : vector<3x16x512xi1>, vector<3x16x512xf32>
      %reduce_max3A = arith.constant dense<0xFF800000> : vector<3x16xf32>
      %reduce_max3A_130 = vector.multi_reduction <maximumf>, %select_n3A_129, %reduce_max3A [2] : vector<3x16x512xf32> to vector<3x16xf32>
      %broadcast_in_dim3A_131 = vector.shape_cast %reduce_max3A_130 : vector<3x16xf32> to vector<3x16x1xf32>
      %gt3A = arith.constant 0.000000e+00 : f32
      %gt3A_132 = vector.broadcast %gt3A : f32 to vector<3x16x1xf32>
      %gt3A_133 = arith.cmpf ogt, %broadcast_in_dim3A_131, %gt3A_132 : vector<3x16x1xf32>
      %eq3A_134 = vector.broadcast %broadcast_in_dim3A_131 : vector<3x16x1xf32> to vector<3x16x512xf32>
      %eq3A_135 = arith.cmpf oeq, %select_n3A_129, %eq3A_134 : vector<3x16x512xf32>
      %broadcast_in_dim3A_136 = vector.shape_cast %iota3A : vector<1x1x512xi32> to vector<1x1x512xi32>
      %broadcast_in_dim3A_137 = vector.broadcast %broadcast_in_dim3A_136 : vector<1x1x512xi32> to vector<3x16x512xi32>
      %jit3A_138 = arith.constant 1024 : i32
      %broadcast_in_dim3A_139 = vector.broadcast %jit3A_138 : i32 to vector<3x16x512xi32>
      %select_n3A_140 = arith.select %eq3A_135, %broadcast_in_dim3A_137, %broadcast_in_dim3A_139 : vector<3x16x512xi1>, vector<3x16x512xi32>
      %reduce_min3A = arith.constant dense<2147483647> : vector<3x16xi32>
      %reduce_min3A_141 = vector.multi_reduction <minsi>, %select_n3A_140, %reduce_min3A [2] : vector<3x16x512xi32> to vector<3x16xi32>
      %broadcast_in_dim3A_142 = vector.shape_cast %reduce_min3A_141 : vector<3x16xi32> to vector<3x16x1xi32>
      %eq3A_143 = vector.broadcast %iota3A : vector<1x1x512xi32> to vector<3x16x512xi32>
      %eq3A_144 = vector.broadcast %broadcast_in_dim3A_142 : vector<3x16x1xi32> to vector<3x16x512xi32>
      %eq3A_145 = arith.cmpi eq, %eq3A_143, %eq3A_144 : vector<3x16x512xi32>
      %and3A_146 = vector.broadcast %gt3A_133 : vector<3x16x1xi1> to vector<3x16x512xi1>
      %and3A_147 = arith.andi %eq3A_145, %and3A_146 : vector<3x16x512xi1>
      %jit3A_148 = arith.constant 1.000000e+00 : f32
      %broadcast_in_dim3A_149 = vector.broadcast %jit3A_148 : f32 to vector<3x16x512xf32>
      %select_n3A_150 = arith.select %and3A_147, %broadcast_in_dim3A_149, %get3A_120 : vector<3x16x512xi1>, vector<3x16x512xf32>
      %swap3A_151 = arith.constant 0 : index
      %swap3A_152 = arith.constant 0 : index
      %swap3A_153 = arith.constant 0 : index
      %swap3A_154 = vector.load %arg8[%swap3A_151, %swap3A_152, %swap3A_153] : memref<3x16x512xf32, #tpu.memory_space<vmem>>, vector<3x16x512xf32>
      tpu.vector_store %arg8[%swap3A_151, %swap3A_152, %swap3A_153], %select_n3A_150 {strides = array<i32>} : memref<3x16x512xf32, #tpu.memory_space<vmem>>, vector<3x16x512xf32>,
      %get3A_155 = arith.constant 0 : index
      %get3A_156 = arith.constant 0 : index
      %get3A_157 = arith.constant 0 : index
      %get3A_158 = vector.load %arg9[%get3A_155, %get3A_156, %get3A_157] : memref<3x16x1xf32, #tpu.memory_space<vmem>>, vector<3x16x1xf32>
      %convert_element_type3A = arith.extui %gt3A_133 : vector<3x16x1xi1> to vector<3x16x1xi32>
      %convert_element_type3A_159 = arith.sitofp %convert_element_type3A : vector<3x16x1xi32> to vector<3x16x1xf32>
      %add3A_160 = arith.addf %get3A_158, %convert_element_type3A_159 : vector<3x16x1xf32>
      %swap3A_161 = arith.constant 0 : index
      %swap3A_162 = arith.constant 0 : index
      %swap3A_163 = arith.constant 0 : index
      %swap3A_164 = vector.load %arg9[%swap3A_161, %swap3A_162, %swap3A_163] : memref<3x16x1xf32, #tpu.memory_space<vmem>>, vector<3x16x1xf32>
      tpu.vector_store %arg9[%swap3A_161, %swap3A_162, %swap3A_163], %add3A_160 {strides = array<i32>} : memref<3x16x1xf32, #tpu.memory_space<vmem>>, vector<3x16x1xf32>,
      %add3A_165 = arith.constant 1 : i32
      %add3A_166 = arith.addi %get3A_77, %add3A_165 : i32
      %convert_element_type3A_167 = arith.sitofp %add3A_166 : i32 to f32
      %div3A_168 = vector.broadcast %convert_element_type3A_167 : f32 to vector<3x16x1xf32>
      %div3A_169 = arith.divf %add3A_160, %div3A_168 : vector<3x16x1xf32>
      %div3A_170 = arith.constant 5.000000e+02 : f32
      %div3A_171 = vector.broadcast %div3A_170 : f32 to vector<3x16x1xf32>
      %div3A_172 = arith.divf %add3A_160, %div3A_171 : vector<3x16x1xf32>
      %get3A_173 = arith.constant 0 : index
      %get3A_174 = arith.constant 0 : index
      %get3A_175 = arith.constant 0 : index
      %get3A_176 = vector.load %arg10[%get3A_173, %get3A_174, %get3A_175] : memref<3x16x128xf32, #tpu.memory_space<vmem>>, vector<3x16x128xf32>
      %ge3A_177 = vector.broadcast %div3A_172 : vector<3x16x1xf32> to vector<3x16x128xf32>
      %ge3A_178 = vector.broadcast %get3A_28 : vector<1x1x128xf32> to vector<3x16x128xf32>
      %ge3A_179 = arith.cmpf oge, %ge3A_177, %ge3A_178 : vector<3x16x128xf32>
      %jit3A_180 = arith.constant 0.000000e+00 : f32
      %broadcast_in_dim3A_181 = vector.shape_cast %div3A_169 : vector<3x16x1xf32> to vector<3x16x1xf32>
      %broadcast_in_dim3A_182 = vector.broadcast %broadcast_in_dim3A_181 : vector<3x16x1xf32> to vector<3x16x128xf32>
      %broadcast_in_dim3A_183 = vector.broadcast %jit3A_180 : f32 to vector<3x16x128xf32>
      %select_n3A_184 = arith.select %ge3A_179, %broadcast_in_dim3A_182, %broadcast_in_dim3A_183 : vector<3x16x128xi1>, vector<3x16x128xf32>
      %max3A_185 = arith.maximumf %get3A_176, %select_n3A_184 : vector<3x16x128xf32>
      %swap3A_186 = arith.constant 0 : index
      %swap3A_187 = arith.constant 0 : index
      %swap3A_188 = arith.constant 0 : index
      %swap3A_189 = vector.load %arg10[%swap3A_186, %swap3A_187, %swap3A_188] : memref<3x16x128xf32, #tpu.memory_space<vmem>>, vector<3x16x128xf32>
      tpu.vector_store %arg10[%swap3A_186, %swap3A_187, %swap3A_188], %max3A_185 {strides = array<i32>} : memref<3x16x128xf32, #tpu.memory_space<vmem>>, vector<3x16x128xf32>,
      %while3A_190 = arith.constant 0 : i32
      scf.yield %while3A_190 : i32
    }
    %get3A_61 = arith.constant 0 : index
    %get3A_62 = arith.constant 0 : index
    %get3A_63 = arith.constant 0 : index
    %get3A_64 = vector.load %arg10[%get3A_61, %get3A_62, %get3A_63] : memref<3x16x128xf32, #tpu.memory_space<vmem>>, vector<3x10x101xf32>
    %reduce_sum3A = arith.constant dense<0.000000e+00> : vector<3xf32>
    %reduce_sum3A_65 = vector.multi_reduction <add>, %get3A_64, %reduce_sum3A [1, 2] : vector<3x10x101xf32> to vector<3xf32>
    %div3A = arith.constant 1.010000e+03 : f32
    %div3A_66 = vector.broadcast %div3A : f32 to vector<3xf32>
    %div3A_67 = arith.divf %reduce_sum3A_65, %div3A_66 : vector<3xf32>
    %broadcast_in_dim3A_68 = vector.shape_cast %div3A_67 : vector<3xf32> to vector<3x1xf32>
    %broadcast_in_dim3A_69 = vector.shape_cast %broadcast_in_dim3A_68 : vector<3x1xf32> to vector<3x1xf32>
    %broadcast_in_dim3A_70 = vector.broadcast %broadcast_in_dim3A_69 : vector<3x1xf32> to vector<3x128xf32>
    %swap3A_71 = arith.constant 0 : index
    %swap3A_72 = arith.constant 0 : index
    %swap3A_73 = vector.load %arg6[%swap3A_71, %swap3A_72] : memref<3x128xf32, #tpu.memory_space<vmem>>, vector<3x128xf32>
    tpu.vector_store %arg6[%swap3A_71, %swap3A_72], %broadcast_in_dim3A_70 {strides = array<i32>} : memref<3x128xf32, #tpu.memory_space<vmem>>, vector<3x128xf32>,
    return
  }
}

</mosaic_0001>

<sc_bundles>
// kernel: gather_offload_async_start.1
scs
__scs_entry_jumppad:
0x0: {  	(pc) =	sbr.rel $0x88, $3  }
0x1: {  	(tag) =	ssettag $0x0;
	lr =	simm.s32 $0x1  }
0x2: {  	[smem:$0x3F9C] =	sst lr;
	_ =	strace $0xD0000000  }
0x3: {  	_ = 	snop  }
0x4: {  	_ = 	snop  }
0x5: {  	_ = 	snop  }
0x6: {  	_ = 	snop  }
0x7: {  	_ = 	snop  }
__scs_overlays_trampoline_lowered:
0x8: {  	[smem:$0x3FAB] =	sst s0  }
0x9: {  	[smem:$0x3FAC] =	sst s1  }
0xa: {  	[smem:$0x3FAD] =	sst s2  }
0xb: {  	[smem:$0x3FAE] =	sst s3  }
0xc: {  	[smem:$0x3FAF] =	sst s4  }
0xd: {  	[smem:$0x3FB0] =	sst s5  }
0xe: {  	[smem:$0x3FB1] =	sst s6  }
0xf: {  	[smem:$0x3FB2] =	sst s7  }
0x10: {  	[smem:$0x3FB3] =	sst s8  }
0x11: {  	[smem:$0x3FB4] =	sst s9;
	s0 =	simm.s32 @!p0 $0x0  }
0x12: {  	s1 =	sld [smem:$0x3F9A];
	s0 =	simm.s32 @p0 $0x1  }
0x13: {  	[smem:$0x3FB5] =	sst s0;
	s0 =	simm.s32 @!p1 $0x0  }
0x14: {  	s2 =	sld [smem:$0x3F99];
	s0 =	simm.s32 @p1 $0x1  }
0x15: {  	[smem:$0x3FB6] =	sst s0;
	s0 =	simm.s32 @!p2 $0x0  }
0x16: {  	s3 =	sld [smem:$0x3FDB];
	s0 =	simm.s32 @p2 $0x1  }
0x17: {  	s4 =	simm.s32 $0x1BF5;
	[smem:$0x3FB8] =	sst s0  }
0x18: {  	s0 =	sld [smem:$0x3F9B];
	_ =	swait.ge [sflag:s4], $0x0  }
0x19: {  	s7 =	sld [smem:$0x3F9C]  }
0x1a: {  	s8 =	sadd.s32 $0xFFFFE003, lr  }
0x1b: {  	s9 =	sadd.s32 $0xFFFFFEF7, lr;
	s5 =	simm.s32 $0xFFFFFFFF;
	p2 =	slt.u32 s8, $0xFFFFF086  }
0x1c: {  	p1 =	slt.u32 s9, $0xF7A;
	s5 =	simm.s32 @!p2 $0x0  }
0x1d: {  	s5 =	simm.s32 @p1 $0x1;
	p0 =	seq.s32 s7, s2  }
0x1e: {  	s7 =	smul.u32 @!p0 $0xF7A, s2;
	p2 =	seq.s32 @!p0 s5, $0x0  }
0x1f: {  	s9 =	smul.u32 $0xF7A, s1;
	s8 =	simm.s32 @!p0 $0x1BF5;
	p2 =	por !p2, p0  }
0x20: {  	[sflag:s8] =	ssyncset.s32 @!p0 $0xFFFFF086;
	s6 =	sadd.s32 @!p0 s3, s7;
	s7 =	simm.s32 @!p0 $0x108  }
0x21: {  	s3 =	sadd.s32 s3, s9;
	s6 =	sadd.s32 @!p0 $0x88, s6;
	s7 =	simm.s32 @p2 $0x1082  }
0x22: {  	[simem:s7], [sflag:s8] =	dma.local @!p0 [hbm:s6], $0xF7A  }
0x23: {  	s9 =	sor.u32 $0xD0000000, s2;
	s6 =	simm.s32 $0x108;
	_ =	swait.ge @!p0 [sflag:s8], $0x0  }
0x24: {  	s3 =	sadd.s32 $0x88, s3;
	s6 =	simm.s32 @!p1 $0x1082;
	[sflag:s4] =	ssyncset.s32 $0xFFFFF086  }
0x25: {  	[simem:s6], [sflag:s4] =	dma.local [hbm:s3], $0xF7A  }
0x26: {  	[smem:$0x3F9C] =	sst s1;
	(tag) =	ssettag s2;
	_ =	strace s9  }
0x27: {  	s1 =	sld [smem:$0x3FAC]  }
0x28: {  	s2 =	sld [smem:$0x3FAD]  }
0x29: {  	s4 =	sld [smem:$0x3FAF]  }
0x2a: {  	p0 =	seq.s32 s5, $0x0;
	s5 =	sld [smem:$0x3FB0]  }
0x2b: {  	s6 =	sld [smem:$0x3FB1]  }
0x2c: {  	s7 =	sld [smem:$0x3FB2]  }
0x2d: {  	s3 =	simm.s32 $0x108;
	s8 =	sld [smem:$0x3FB3]  }
0x2e: {  	s3 =	simm.s32 @!p0 $0x1082;
	s9 =	sld [smem:$0x3FB4]  }
0x2f: {  	lr =	sadd.s32 s0, s3;
	s0 =	sld [smem:$0x3FAB]  }
0x30: {  	s3 =	sld [smem:$0x3FAE]  }
0x31: {  	[smem:$0x3FB7] =	sst s10  }
0x32: {  	s10 =	sld [smem:$0x3FB5];
	_ =	sdelay $0x3  }
0x33: {  	p0 =	seq.s32 s10, $0x1;
	s10 =	sld [smem:$0x3FB7];
	_ =	sdelay $0x3  }
0x34: {  	[smem:$0x3FB7] =	sst s10  }
0x35: {  	s10 =	sld [smem:$0x3FB6];
	_ =	sdelay $0x3  }
0x36: {  	p1 =	seq.s32 s10, $0x1;
	s10 =	sld [smem:$0x3FB7];
	_ =	sdelay $0x3  }
0x37: {  	[smem:$0x3FB7] =	sst s10  }
0x38: {  	s10 =	sld [smem:$0x3FB8]  }
0x39: {  	_ = 	snop;
	(pc) =	sbr.ind lr, $3  }
0x3a: {  	_ = 	snop  }
0x3b: {  	_ = 	snop  }
0x3c: {  	p2 =	seq.s32 s10, $0x1;
	s10 =	sld [smem:$0x3FB7]  }
0x3d: {  	_ =	shalt  }
0x3e: {  	_ =	shalt  }
0x3f: {  	_ =	shalt  }
0x40: {  	_ =	shalt  }
0x41: {  	_ =	shalt  }
0x42: {  	_ =	shalt  }
0x43: {  	_ =	shalt  }
0x44: {  	_ =	shalt  }
0x45: {  	_ =	shalt  }
0x46: {  	_ =	shalt  }
0x47: {  	_ =	shalt  }
0x48: {  	_ =	shalt  }
0x49: {  	_ =	shalt  }
0x4a: {  	_ =	shalt  }
0x4b: {  	_ =	shalt  }
0x4c: {  	_ =	shalt  }
0x4d: {  	_ =	shalt  }
0x4e: {  	_ =	shalt  }
0x4f: {  	_ =	shalt  }
0x50: {  	_ =	shalt  }
0x51: {  	_ =	shalt  }
0x52: {  	_ =	shalt  }
0x53: {  	_ =	shalt  }
0x54: {  	_ =	shalt  }
0x55: {  	_ =	shalt  }
0x56: {  	_ =	shalt  }
0x57: {  	_ =	shalt  }
0x58: {  	_ =	shalt  }
0x59: {  	_ =	shalt  }
0x5a: {  	_ =	shalt  }
0x5b: {  	_ =	shalt  }
0x5c: {  	_ =	shalt  }
0x5d: {  	_ =	shalt  }
0x5e: {  	_ =	shalt  }
0x5f: {  	_ =	shalt  }
0x60: {  	_ =	shalt  }
0x61: {  	_ =	shalt  }
0x62: {  	_ =	shalt  }
0x63: {  	_ =	shalt  }
0x64: {  	_ =	shalt  }
0x65: {  	_ =	shalt  }
0x66: {  	_ =	shalt  }
0x67: {  	_ =	shalt  }
0x68: {  	_ =	shalt  }
0x69: {  	_ =	shalt  }
0x6a: {  	_ =	shalt  }
0x6b: {  	_ =	shalt  }
0x6c: {  	_ =	shalt  }
0x6d: {  	_ =	shalt  }
0x6e: {  	_ =	shalt  }
0x6f: {  	_ =	shalt  }
0x70: {  	_ =	shalt  }
0x71: {  	_ =	shalt  }
0x72: {  	_ =	shalt  }
0x73: {  	_ =	shalt  }
0x74: {  	_ =	shalt  }
0x75: {  	_ =	shalt  }
0x76: {  	_ =	shalt  }
0x77: {  	_ =	shalt  }
0x78: {  	_ =	shalt  }
0x79: {  	_ =	shalt  }
0x7a: {  	_ =	shalt  }
0x7b: {  	_ =	shalt  }
0x7c: {  	_ =	shalt  }
0x7d: {  	_ =	shalt  }
0x7e: {  	_ =	shalt  }
0x7f: {  	_ =	shalt  }
0x80: {  	_ =	shalt  }
0x81: {  	_ =	shalt  }
0x82: {  	_ =	shalt  }
0x83: {  	_ =	shalt  }
0x84: {  	_ =	shalt  }
0x85: {  	_ =	shalt  }
0x86: {  	_ =	shalt  }
0x87: {  	_ =	shalt  }
.Lfunc_end0:
.L_simem_size_0:
called_computation.1_lowered:
.L_overlay_start_0:
0x88: {  	s0 =	sld [smem:$0x3FD9]  }
0x89: {  	s1 =	sld [smem:$0x3FFE];
	_ =	sdelay $0x3  }
0x8a: {  	s0 =	sadd.s32 s1, s0  }
0x8b: {  	[smem:$0x3FC3] =	sst s0  }
0x8c: {  	_ = 	snop  }
0x8d: {  	s0 =	sld [smem:$0x3FC7];
	(tm) =	ssettm $0x1  }
0x8e: {  	s16 =	sld [smem:$0x3FFB];
	_ =	sdelay $0x3  }
0x8f: {  	_ =	strace s16  }
0x90: {  	s1 =	sld [smem:$0x3FFC];
	_ =	sdelay $0x3  }
0x91: {  	_ =	strace s1  }
0x92: {  	s1 =	sld [smem:$0x3FFD];
	_ =	sdelay $0x3  }
0x93: {  	_ =	strace s1  }
0x94: {  	_ =	strace $0x8FFFFFFF  }
0x95: {  	s17 =	sld [smem:$0x3FDB];
	_ =	sdelay $0x1  }
0x96: {  	s2 =	simm.s32 $_scs_section_size  }
0x97: {  	s3 =	simm.s32 $_size__tile_overlayer_lowered;
	s4 =	simm.s32 $_tile_overlayer_lowered  }
0x98: {  	s20 =	simm.s32 $0x1BFF;
	s19 =	sshll.u32 s4, $0x1;
	s1 =	sadd.s32 s2, s17  }
0x99: {  	s5 =	simm.s32 $0x0;
	s18 =	sshll.u32 s3, $0x1;
	s3 =	sadd.s32 s19, s1  }
0x9a: {  	[timem:s5], [sflag:s20] =	dma.local [hbm:s3], s18  }
0x9b: {  	_ =	swait.ge [sflag:s20], s18  }
0x9c: {  	s2 =	ssub.s32 $0x0, s18;
	[sflag:s20] =	ssyncset.done $0x0  }
0x9d: {  	[sflag:s20] =	ssyncadd.s32 s2;
	_ =	sdelay $0x1  }
0x9e: {  	s21 =	simm.s32 $0x1B8B  }
0x9f: {  	_ =	swait.ge [sflag:s21], $0x1  }
0xa0: {  	[sflag:s21] =	ssyncset.done $0x0  }
0xa1: {  	s23 =	simm.s32 $0x1B8E;
	s22 =	sld [smem:$0x3FFE];
	[sflag:s21] =	ssyncadd.s32 $0xFFFFFFFF  }
0xa2: {  	s24 =	simm.s32 $execute0_lowered;
	[smem:$0x3FD2] =	sst s23  }
0xa3: {  	s3 =	sshll.u32 s24, $0x1;
	_ =	strace $0x80000046;
	[dreg:$0x1] =	wrdreg $0xFFFFFFFF  }
0xa4: {  	s25 =	simm.s32 $_size_execute0_lowered;
	s1 =	sadd.s32 s1, s3;
	[dreg:$0x0] =	wrdreg $0x0  }
0xa5: {  	s3 =	sshll.u32 s25, $0x1;
	[dreg:$0x2] =	wrdreg s1  }
0xa6: {  	[dreg:$0x3] =	wrdreg s3  }
0xa7: {  	[dreg:$0x4] =	wrdreg $0xC0  }
0xa8: {  	_ =	task [dreg:s5], $0x5FFFF  }
0xa9: {  	[dreg:$0x1] =	wrdreg $0xFFFFFFFF  }
0xaa: {  	[dreg:$0x0] =	wrdreg $0x60  }
0xab: {  	[dreg:$0x2] =	wrdreg s0  }
0xac: {  	[dreg:$0x3] =	wrdreg s22  }
0xad: {  	[dreg:$0x4] =	wrdreg $0x9  }
0xae: {  	_ =	task.clear_ibuf [dreg:s5], $0x5FFFF;
	_ =	strace $0x90000046  }
0xaf: {  	s26 =	simm.s32 $0x9;
	_ =	strace $0x80000048  }
0xb0: {  	_ =	swait.ge [sflag:s26], $0x1  }
0xb1: {  	[sflag:s26] =	ssyncadd.s32 $0xFFFFFFFF  }
0xb2: {  	_ =	strace $0x90000048  }
0xb3: {  	_ =	sfence  }
0xb4: {  	s28 =	sld [smem:$0x0];
	_ =	sdelay $0x1  }
0xb5: {  	s29 =	srdreg.scid  }
0xb6: {  	s30 =	sshll.u32 s29, $0xD;
	s31 =	sshrl.u32 s29, $0x2  }
0xb7: {  	s2 =	sand.u32 $0x4000, s30;
	s1 =	sand.u32 $0x1, s29;
	s0 =	sadd.s32 s31, s28  }
0xb8: {  	s1 =	sor.u32 s2, s1;
	s0 =	sshll.u32 s0, $0x11  }
0xb9: {  	s0 =	sor.u32 s0, s1  }
0xba: {  	s0 =	sadd.s32 $0x8F2B, s0  }
0xbb: {  	[sflag:s0] =	ssyncadd.remote.s32 $0x1  }
0xbc: {  	_ =	sfence.sel $0xFFFF  }
0xbd: {  	[dreg:$0x0] =	wrdreg $0xFFFFFFFF;
	(pc) =	sbr.abs _section_cstart, $3  }
0xbe: {  	[dreg:$0x1] =	wrdreg $0xFFFFFFFF  }
0xbf: {  	_ =	task.clear_ibuf [dreg:s5], $0x2FFFF;
	_ =	strace $0x9FFFFFFF  }
0xc0: {  	(tm) =	ssettm $0x7FFFFFFF  }
0xc1: {  	_ =	shalt  }
tec
execute0_lowered:
.L_overlay_start_1:
0x0: {  	(tag) =	ssettag $0x1  }
0x1: {  	s2 =	rddreg [dreg:$0x0]  }
0x2: {  	s3 =	rddreg [dreg:$0x1]  }
0x3: {  	s0 =	rddreg [dreg:$0x2];
	_ =	strace $0x80000047;
	s4 =	simm.s32 $0x1  }
0x4: {  	s1 =	stileid.u32;
	s7 =	simm.s32 $0x1;
	s8 =	simm.s32 $0x1  }
0x5: {  	s6 =	simm.s32 $0x2;
	s9 =	simm.s32 $0x3;
	s10 =	simm.s32 $0x0  }
.Ltmp0:
0x6: {  	s13 =	simm.s32 $0x0;
	p0 =	slt.u32 s1, $0xA;
	(pc) =	sbr.rel .LBB2_1-.Ltmp0, $4  }
0x7: {  	[sflag:s4] =	ssyncpa.u1 $0x0;
	s7 =	simm.s32 @!p0 $0x0;
	p0 =	sne.s32 s1, $0x9  }
0x8: {  	s5 =	smul.u32 $0xF0, s1;
	[sflag:s6] =	ssyncpa.u1 $0x0;
	s8 =	simm.s32 @!p0 $0x0  }
0x9: {  	s12 =	simm.s32 $0x0;
	[sflag:s9] =	ssyncpa.u1 $0x0;
	s7 =	sadd.s32 s8, s7  }
0xa: {  	vm0 =	vmmov $0xffff;
	s11 =	smov.u32 s5;
	s8 =	sadd.s32 $0x17C00, s3;
	s9 =	sadd.s32 $0x1, s7  }
.LBB2_4:
0xb: {  	v5 =	vld.msk [tilespmem:s18+$0x0 ss:$0x1], $0xffff  }
0xc: {  	v6 =	vand.u32 $0x3, v1;
	v7 =	vshrl.u32 v1, $0x2  }
0xd: {  	v3 =	vor.u32 v4, v3;
	vm1 =	veq.s32 v1, $0x80000000;
	v53 =	vand.u32 $0x7FF, v7  }
0xe: {  	v2 =	vor.u32 v2, v3;
	v54 =	vsel vm1, $0xFFFFFFFF, v6;
	v1 =	vsel vm1, $0xFFFFFFFF, v53  }
0xf: {  	v6 =	vshll.u32 v54, $0x7;
	v3 =	vand.u32 $0xFFFFE000, v54;
	v55 =	vand.u32 $0x7F, v1  }
0x10: {  	v1 =	vshll.u32 v1, $0x2;
	v6 =	vand.u32 $0x180, v6;
	v56 =	vshrl.u32 v5, $0x2  }
0x11: {  	v1 =	vand.u32 $0xFFFFFE00, v1;
	vm1 =	veq.s32 v5, $0x80000000;
	v57 =	vand.u32 $0x7FF, v56  }
0x12: {  	v1 =	vadd.s32 v3, v1;
	v5 =	vand.u32 $0x3, v5;
	v3 =	vsel vm1, $0xFFFFFFFF, v57  }
0x13: {  	v1 =	vor.u32 v6, v1;
	v5 =	vsel vm1, $0xFFFFFFFF, v5;
	v58 =	vshll.u32 v3, $0x2  }
0x14: {  	v59 =	vshll.u32 v5, $0x7;
	v5 =	vand.u32 $0xFFFFE000, v5;
	v6 =	vand.u32 $0xFFFFFE00, v58  }
0x15: {  	v1 =	vor.u32 v55, v1;
	v61 =	vand.u32 $0x180, v59;
	v60 =	vadd.s32 v5, v6  }
0x16: {  	[tilespmem:s16], [sflag:$0x1] =	stream.indirect_vreg.gather [hbm4b:s2+s10], $0x1, v0, vm0, $0x4038;
	v62 =	vand.u32 $0x7F, v3;
	v63 =	vor.u32 v61, v60;
	[tilespmem:$0x3C0] =	vst v63  }
0x17: {  	(ifvalue) =	ssetifvalue $0x7FFFFFFF;
	v0 =	vor.u32 v62, v63  }
0x18: {  	[tilespmem:s15], [sflag:$0x1] =	stream.indirect_vreg.gather [hbm4b:s2+s10], $0x1, v2, vm0, $0x4038;
	[tilespmem:$0x3C0] =	vst v63  }
0x19: {  	s29 =	sadd.s32 $0x10, s15;
	(ifvalue) =	ssetifvalue $0x7FFFFFFF  }
0x1a: {  	[tilespmem:s29], [sflag:$0x1] =	stream.indirect_vreg.gather [hbm4b:s2+s10], $0x1, v1, vm0, $0x4038;
	[tilespmem:$0x3C0] =	vst v63  }
0x1b: {  	s15 =	sadd.s32 $0x10, s29;
	(ifvalue) =	ssetifvalue $0x7FFFFFFF  }
0x1c: {  	[tilespmem:s15], [sflag:$0x1] =	stream.indirect_vreg.gather [hbm4b:s2+s10], $0x1, v0, vm0, $0x4038;
	[tilespmem:$0x3C0] =	vst v63  }
0x1d: {  	_ =	swait.ge [sflag:s4], $0xF0  }
0x1e: {  	s30 =	sshrl.u32 s13, $0x3;
	[sflag:s4] =	ssyncset.done $0x0  }
0x1f: {  	s31 =	sand.u32 $0x7, s13;
	s15 =	sadd.s32 s8, s30;
	[sflag:s4] =	ssyncadd.s32 $0xFFFFFF10  }
0x20: {  	[hbm4b:s15+s31] =	stream.linear.scatter [tilespmem:s14], [sflag:$0x3], $0xF0, $0x38;
	[tilespmem:$0x3C0] =	vst v63  }
.LBB2_5:
0x21: {  	s15 =	sadd.s32 $0xF00, s11  }
0x22: {  	p1 =	sgt.s32 s15, $0x176F  }
0x23: {  	s15 =	smov.u32 @p1 s5;
	p1 =	sne.s32 s12, s9  }
.Ltmp1:
0x24: {  	p0 =	slt.u32 s12, $0x2;
	(pc) =	sbr.rel @!p1 .LBB2_6-.Ltmp1, $4  }
0x25: {  	s14 =	simm.s32 @!p0 $0x3  }
0x26: {  	_ =	swait.ge @!p0 [sflag:s14], $0xF0  }
0x27: {  	s16 =	sadd.s32 $0x1, s12;
	s13 =	smov.u32 s11;
	[sflag:s14] =	ssyncset.done @!p0 $0x0  }
0x28: {  	s12 =	smov.u32 s16;
	s11 =	smov.u32 s15;
	[sflag:s14] =	ssyncadd.s32 @!p0 $0xFFFFFF10  }
.LBB2_1:
0x29: {  	p0 =	sge.u32 s12, s7  }
0x2a: {  	s14 =	sxor.u32 @!p0 $0x1, s12  }
0x2b: {  	s14 =	smul.u32 @!p0 $0x3C0, s14  }
0x2c: {  	s31 =	sadd.s32 $0xFFFFFFFF, s12;
	s15 =	sshrl.u32 @!p0 s11, $0x3  }
0x2d: {  	s16 =	sand.u32 @!p0 $0x7, s11;
	s15 =	sadd.s32 @!p0 s3, s15;
	s14 =	sshra.s32 @!p0 s14, $0x2  }
0x2e: {  	[tilespmem:s14], [sflag:$0x2] =	stream.linear.gather @!p0 [hbm4b:s15+s16], $0xF0, $0x38;
	[tilespmem:$0x3C0] =	vst v63  }
0x2f: {  	p0 =	sge.u32 s31, s7  }
.Ltmp2:
0x30: {  	_ = 	snop;
	(pc) =	sbr.rel @p0 .LBB2_5-.Ltmp2, $1  }
0x31: {  	_ =	sdelay $0x3  }
0x32: {  	s14 =	sand.u32 $0x1, s12  }
0x33: {  	_ =	swait.ge [sflag:s6], $0xF0;
	p0 =	seq.s32 s14, $0x1;
	s14 =	simm.s32 $0xF0  }
0x34: {  	[sflag:s6] =	ssyncset.done $0x0;
	s14 =	simm.s32 @!p0 $0x0  }
0x35: {  	[sflag:s6] =	ssyncadd.s32 $0xFFFFFF10;
	(ifvalue) =	ssetifvalue $0x7FFFFFFF;
	v0 =	vld.msk [tilespmem:s14+$0x0 ss:$0x1], $0xffff;
	_ =	sdelay $0x4  }
0x36: {  	s15 =	sadd.s32 $0x10, s14;
	v2 =	vshrl.u32 v0, $0x2  }
0x37: {  	v1 =	vld.msk [tilespmem:s15+$0x0 ss:$0x1], $0xffff;
	vm1 =	veq.s32 v0, $0x80000000;
	v2 =	vand.u32 $0x7FF, v2  }
0x38: {  	v0 =	vand.u32 $0x3, v0;
	v2 =	vsel vm1, $0xFFFFFFFF, v2  }
0x39: {  	v0 =	vsel vm1, $0xFFFFFFFF, v0;
	v3 =	vshll.u32 v2, $0x2  }
0x3a: {  	v4 =	vand.u32 $0xFFFFE000, v0;
	v0 =	vshll.u32 v0, $0x7;
	v3 =	vand.u32 $0xFFFFFE00, v3  }
0x3b: {  	v0 =	vand.u32 $0x180, v0;
	v3 =	vadd.s32 v4, v3  }
0x3c: {  	v2 =	vand.u32 $0x7F, v2;
	v4 =	vshrl.u32 v1, $0x2;
	v0 =	vor.u32 v0, v3  }
0x3d: {  	vm1 =	veq.s32 v1, $0x80000000;
	v4 =	vand.u32 $0x7FF, v4;
	v0 =	vor.u32 v2, v0  }
0x3e: {  	s15 =	sadd.s32 $0x10, s15;
	v1 =	vand.u32 $0x3, v1;
	v3 =	vsel vm1, $0xFFFFFFFF, v4  }
0x3f: {  	s14 =	sadd.s32 $0x1E0, s14;
	v2 =	vsel vm1, $0xFFFFFFFF, v1;
	v1 =	vld.msk [tilespmem:s15+$0x0 ss:$0x1], $0xffff;
	v4 =	vshll.u32 v3, $0x2  }
0x40: {  	s17 =	simm.s32 $0x30;
	s16 =	smov.u32 s14;
	v5 =	vshll.u32 v2, $0x7;
	v6 =	vand.u32 $0xFFFFE000, v2;
	v4 =	vand.u32 $0xFFFFFE00, v4  }
0x41: {  	s18 =	sadd.s32 $0x10, s15;
	(ifvalue) =	ssetifvalue $0x7FFFFFFF;
	s15 =	sadd.s32 $0x10, s14;
	v2 =	vand.u32 $0x7F, v3;
	v3 =	vadd.s32 v6, v4;
	v4 =	vand.u32 $0x180, v5  }
.LBB2_3:
0x42: {  	[tilespmem:s16], [sflag:$0x1] =	stream.indirect_vreg.gather [hbm4b:s2+s10], $0x1, v0, vm0, $0x4038;
	[tilespmem:$0x3C0] =	vst v63  }
0x43: {  	s17 =	sadd.s32 $0x10, s17  }
0x44: {  	v5 =	vand.u32 $0x3, v1;
	v6 =	vshrl.u32 v1, $0x2;
	v3 =	vor.u32 v4, v3;
	v0 =	vmovc v1;
	v1 =	vld.msk [tilespmem:s18+$0x0 ss:$0x1], $0xffff;
	p0 =	slt.u32 s17, $0xE0  }
.Ltmp3:
0x45: {  	s16 =	smov.u32 s15;
	vm1 =	veq.s32 v0, $0x80000000;
	v4 =	vand.u32 $0x7FF, v6;
	v0 =	vor.u32 v2, v3;
	(pc) =	sbr.rel @p0 .LBB2_3-.Ltmp3, $4  }
0x46: {  	v3 =	vsel vm1, $0xFFFFFFFF, v5;
	v4 =	vsel vm1, $0xFFFFFFFF, v4  }
0x47: {  	v2 =	vand.u32 $0x7F, v4;
	v4 =	vshll.u32 v4, $0x2;
	v5 =	vshll.u32 v3, $0x7  }
0x48: {  	v3 =	vand.u32 $0xFFFFE000, v3;
	v4 =	vand.u32 $0xFFFFFE00, v4  }
0x49: {  	s18 =	sadd.s32 $0x10, s18;
	s15 =	sadd.s32 $0x10, s15;
	v3 =	vadd.s32 v3, v4;
	v4 =	vand.u32 $0x180, v5;
	(ifvalue) =	ssetifvalue $0x7FFFFFFF  }
.Ltmp4:
0x4a: {  	_ = 	snop;
	(pc) =	sbr.rel .LBB2_4-.Ltmp4, $1  }
0x4b: {  	_ =	sdelay $0x3  }
.LBB2_6:
0x4c: {  	_ =	sfence.sel $0x180000  }
0x4d: {  	s2 =	simm.s32 $0x2;
	[bflag:$0x0] =	sbarrier.arrive $0xFFFF  }
0x4e: {  	s30 =	simm.s32 $0x3;
	[sflag:s2] =	ssyncpa.u1 $0x1  }
0x4f: {  	s31 =	simm.s32 $0x1;
	[sflag:s30] =	ssyncpa.u1 $0x1  }
0x50: {  	[sflag:s31] =	ssyncpa.u1 $0x1  }
0x51: {  	p0 =	sne.s32 s1, $0x0;
	_ =	strace $0x90000047  }
0x52: {  	s0 =	sadd.s32 @!p0 $0x100000, s0;
	[bflag:$0x2] =	sbarrier.arrive $0xFFFF  }
0x53: {  	[sflag:s0] =	ssyncadd.tile.s32 @!p0 $0x1;
	_ =	shalt  }
.Lfunc_end2:
_tile_overlayer_lowered:
.L_overlay_start_2:
0x54: {  	(tag) =	ssettag $0x2  }
0x55: {  	s0 =	rddreg [dreg:$0x0];
	s2 =	stileid.u32  }
0x56: {  	s1 =	rddreg [dreg:$0x1];
	p0 =	sne.s32 s2, $0x0  }
0x57: {  	s3 =	rddreg [dreg:$0x2];
	[bflag:$0x3] =	sbarrier.arrive $0xFFFF;
	s2 =	simm.s32 @!p0 $0x1C01  }
0x58: {  	[timem:s3], [sflag:s2] =	dma.local @!p0 [hbm:s0], s1  }
0x59: {  	s0 =	simm.s32 @!p0 $0x1  }
0x5a: {  	_ =	swait.ge @!p0 [sflag:s0], s1  }
0x5b: {  	s1 =	ssub.s32 @!p0 $0x0, s1;
	[sflag:s0] =	ssyncset.done @!p0 $0x0  }
0x5c: {  	[sflag:s0] =	ssyncadd.s32 @!p0 s1  }
0x5d: {  	[bflag:$0x3] =	sbarrier.arrive $0xFFFF  }
0x5e: {  	_ =	shalt  }

// kernel: gather_offload_async_start
scs
__scs_entry_jumppad:
0x0: {  	(pc) =	sbr.rel $0x88, $3  }
0x1: {  	(tag) =	ssettag $0x0;
	lr =	simm.s32 $0x1  }
0x2: {  	[smem:$0x3F9C] =	sst lr;
	_ =	strace $0xD0000000  }
0x3: {  	_ = 	snop  }
0x4: {  	_ = 	snop  }
0x5: {  	_ = 	snop  }
0x6: {  	_ = 	snop  }
0x7: {  	_ = 	snop  }
__scs_overlays_trampoline_lowered:
0x8: {  	[smem:$0x3FAB] =	sst s0  }
0x9: {  	[smem:$0x3FAC] =	sst s1  }
0xa: {  	[smem:$0x3FAD] =	sst s2  }
0xb: {  	[smem:$0x3FAE] =	sst s3  }
0xc: {  	[smem:$0x3FAF] =	sst s4  }
0xd: {  	[smem:$0x3FB0] =	sst s5  }
0xe: {  	[smem:$0x3FB1] =	sst s6  }
0xf: {  	[smem:$0x3FB2] =	sst s7  }
0x10: {  	[smem:$0x3FB3] =	sst s8  }
0x11: {  	[smem:$0x3FB4] =	sst s9;
	s0 =	simm.s32 @!p0 $0x0  }
0x12: {  	s1 =	sld [smem:$0x3F9A];
	s0 =	simm.s32 @p0 $0x1  }
0x13: {  	[smem:$0x3FB5] =	sst s0;
	s0 =	simm.s32 @!p1 $0x0  }
0x14: {  	s2 =	sld [smem:$0x3F99];
	s0 =	simm.s32 @p1 $0x1  }
0x15: {  	[smem:$0x3FB6] =	sst s0;
	s0 =	simm.s32 @!p2 $0x0  }
0x16: {  	s3 =	sld [smem:$0x3FDB];
	s0 =	simm.s32 @p2 $0x1  }
0x17: {  	s4 =	simm.s32 $0x1BF5;
	[smem:$0x3FB8] =	sst s0  }
0x18: {  	s0 =	sld [smem:$0x3F9B];
	_ =	swait.ge [sflag:s4], $0x0  }
0x19: {  	s7 =	sld [smem:$0x3F9C]  }
0x1a: {  	s8 =	sadd.s32 $0xFFFFE003, lr  }
0x1b: {  	s9 =	sadd.s32 $0xFFFFFEF7, lr;
	s5 =	simm.s32 $0xFFFFFFFF;
	p2 =	slt.u32 s8, $0xFFFFF086  }
0x1c: {  	p1 =	slt.u32 s9, $0xF7A;
	s5 =	simm.s32 @!p2 $0x0  }
0x1d: {  	s5 =	simm.s32 @p1 $0x1;
	p0 =	seq.s32 s7, s2  }
0x1e: {  	s7 =	smul.u32 @!p0 $0xF7A, s2;
	p2 =	seq.s32 @!p0 s5, $0x0  }
0x1f: {  	s9 =	smul.u32 $0xF7A, s1;
	s8 =	simm.s32 @!p0 $0x1BF5;
	p2 =	por !p2, p0  }
0x20: {  	[sflag:s8] =	ssyncset.s32 @!p0 $0xFFFFF086;
	s6 =	sadd.s32 @!p0 s3, s7;
	s7 =	simm.s32 @!p0 $0x108  }
0x21: {  	s3 =	sadd.s32 s3, s9;
	s6 =	sadd.s32 @!p0 $0x88, s6;
	s7 =	simm.s32 @p2 $0x1082  }
0x22: {  	[simem:s7], [sflag:s8] =	dma.local @!p0 [hbm:s6], $0xF7A  }
0x23: {  	s9 =	sor.u32 $0xD0000000, s2;
	s6 =	simm.s32 $0x108;
	_ =	swait.ge @!p0 [sflag:s8], $0x0  }
0x24: {  	s3 =	sadd.s32 $0x88, s3;
	s6 =	simm.s32 @!p1 $0x1082;
	[sflag:s4] =	ssyncset.s32 $0xFFFFF086  }
0x25: {  	[simem:s6], [sflag:s4] =	dma.local [hbm:s3], $0xF7A  }
0x26: {  	[smem:$0x3F9C] =	sst s1;
	(tag) =	ssettag s2;
	_ =	strace s9  }
0x27: {  	s1 =	sld [smem:$0x3FAC]  }
0x28: {  	s2 =	sld [smem:$0x3FAD]  }
0x29: {  	s4 =	sld [smem:$0x3FAF]  }
0x2a: {  	p0 =	seq.s32 s5, $0x0;
	s5 =	sld [smem:$0x3FB0]  }
0x2b: {  	s6 =	sld [smem:$0x3FB1]  }
0x2c: {  	s7 =	sld [smem:$0x3FB2]  }
0x2d: {  	s3 =	simm.s32 $0x108;
	s8 =	sld [smem:$0x3FB3]  }
0x2e: {  	s3 =	simm.s32 @!p0 $0x1082;
	s9 =	sld [smem:$0x3FB4]  }
0x2f: {  	lr =	sadd.s32 s0, s3;
	s0 =	sld [smem:$0x3FAB]  }
0x30: {  	s3 =	sld [smem:$0x3FAE]  }
0x31: {  	[smem:$0x3FB7] =	sst s10  }
0x32: {  	s10 =	sld [smem:$0x3FB5];
	_ =	sdelay $0x3  }
0x33: {  	p0 =	seq.s32 s10, $0x1;
	s10 =	sld [smem:$0x3FB7];
	_ =	sdelay $0x3  }
0x34: {  	[smem:$0x3FB7] =	sst s10  }
0x35: {  	s10 =	sld [smem:$0x3FB6];
	_ =	sdelay $0x3  }
0x36: {  	p1 =	seq.s32 s10, $0x1;
	s10 =	sld [smem:$0x3FB7];
	_ =	sdelay $0x3  }
0x37: {  	[smem:$0x3FB7] =	sst s10  }
0x38: {  	s10 =	sld [smem:$0x3FB8]  }
0x39: {  	_ = 	snop;
	(pc) =	sbr.ind lr, $3  }
0x3a: {  	_ = 	snop  }
0x3b: {  	_ = 	snop  }
0x3c: {  	p2 =	seq.s32 s10, $0x1;
	s10 =	sld [smem:$0x3FB7]  }
0x3d: {  	_ =	shalt  }
0x3e: {  	_ =	shalt  }
0x3f: {  	_ =	shalt  }
0x40: {  	_ =	shalt  }
0x41: {  	_ =	shalt  }
0x42: {  	_ =	shalt  }
0x43: {  	_ =	shalt  }
0x44: {  	_ =	shalt  }
0x45: {  	_ =	shalt  }
0x46: {  	_ =	shalt  }
0x47: {  	_ =	shalt  }
0x48: {  	_ =	shalt  }
0x49: {  	_ =	shalt  }
0x4a: {  	_ =	shalt  }
0x4b: {  	_ =	shalt  }
0x4c: {  	_ =	shalt  }
0x4d: {  	_ =	shalt  }
0x4e: {  	_ =	shalt  }
0x4f: {  	_ =	shalt  }
0x50: {  	_ =	shalt  }
0x51: {  	_ =	shalt  }
0x52: {  	_ =	shalt  }
0x53: {  	_ =	shalt  }
0x54: {  	_ =	shalt  }
0x55: {  	_ =	shalt  }
0x56: {  	_ =	shalt  }
0x57: {  	_ =	shalt  }
0x58: {  	_ =	shalt  }
0x59: {  	_ =	shalt  }
0x5a: {  	_ =	shalt  }
0x5b: {  	_ =	shalt  }
0x5c: {  	_ =	shalt  }
0x5d: {  	_ =	shalt  }
0x5e: {  	_ =	shalt  }
0x5f: {  	_ =	shalt  }
0x60: {  	_ =	shalt  }
0x61: {  	_ =	shalt  }
0x62: {  	_ =	shalt  }
0x63: {  	_ =	shalt  }
0x64: {  	_ =	shalt  }
0x65: {  	_ =	shalt  }
0x66: {  	_ =	shalt  }
0x67: {  	_ =	shalt  }
0x68: {  	_ =	shalt  }
0x69: {  	_ =	shalt  }
0x6a: {  	_ =	shalt  }
0x6b: {  	_ =	shalt  }
0x6c: {  	_ =	shalt  }
0x6d: {  	_ =	shalt  }
0x6e: {  	_ =	shalt  }
0x6f: {  	_ =	shalt  }
0x70: {  	_ =	shalt  }
0x71: {  	_ =	shalt  }
0x72: {  	_ =	shalt  }
0x73: {  	_ =	shalt  }
0x74: {  	_ =	shalt  }
0x75: {  	_ =	shalt  }
0x76: {  	_ =	shalt  }
0x77: {  	_ =	shalt  }
0x78: {  	_ =	shalt  }
0x79: {  	_ =	shalt  }
0x7a: {  	_ =	shalt  }
0x7b: {  	_ =	shalt  }
0x7c: {  	_ =	shalt  }
0x7d: {  	_ =	shalt  }
0x7e: {  	_ =	shalt  }
0x7f: {  	_ =	shalt  }
0x80: {  	_ =	shalt  }
0x81: {  	_ =	shalt  }
0x82: {  	_ =	shalt  }
0x83: {  	_ =	shalt  }
0x84: {  	_ =	shalt  }
0x85: {  	_ =	shalt  }
0x86: {  	_ =	shalt  }
0x87: {  	_ =	shalt  }
.Lfunc_end0:
.L_simem_size_0:
called_computation_lowered:
.L_overlay_start_0:
0x88: {  	s0 =	sld [smem:$0x3FD9]  }
0x89: {  	s1 =	sld [smem:$0x3FFE];
	_ =	sdelay $0x3  }
0x8a: {  	s0 =	sadd.s32 s1, s0  }
0x8b: {  	[smem:$0x3FC3] =	sst s0  }
0x8c: {  	_ = 	snop  }
0x8d: {  	(tm) =	ssettm $0x1  }
0x8e: {  	s15 =	sld [smem:$0x3FFB];
	_ =	sdelay $0x3  }
0x8f: {  	_ =	strace s15  }
0x90: {  	s0 =	sld [smem:$0x3FFC];
	_ =	sdelay $0x3  }
0x91: {  	_ =	strace s0  }
0x92: {  	s0 =	sld [smem:$0x3FFD];
	_ =	sdelay $0x3  }
0x93: {  	_ =	strace s0  }
0x94: {  	_ =	strace $0x8FFFFFFF  }
0x95: {  	s16 =	sld [smem:$0x3FDB];
	_ =	sdelay $0x1  }
0x96: {  	s17 =	simm.s32 $_scs_section_size  }
0x97: {  	s2 =	simm.s32 $_size__tile_overlayer_lowered;
	s3 =	simm.s32 $_tile_overlayer_lowered  }
0x98: {  	s20 =	simm.s32 $0x1BFF;
	s19 =	sshll.u32 s3, $0x1;
	s0 =	sadd.s32 s17, s16  }
0x99: {  	s4 =	simm.s32 $0x0;
	s18 =	sshll.u32 s2, $0x1;
	s2 =	sadd.s32 s19, s0  }
0x9a: {  	[timem:s4], [sflag:s20] =	dma.local [hbm:s2], s18  }
0x9b: {  	_ =	swait.ge [sflag:s20], s18  }
0x9c: {  	s1 =	ssub.s32 $0x0, s18;
	[sflag:s20] =	ssyncset.done $0x0  }
0x9d: {  	[sflag:s20] =	ssyncadd.s32 s1;
	_ =	sdelay $0x1  }
0x9e: {  	s21 =	simm.s32 $0x1B8B  }
0x9f: {  	_ =	swait.ge [sflag:s21], $0x1  }
0xa0: {  	[sflag:s21] =	ssyncset.done $0x0  }
0xa1: {  	s23 =	simm.s32 $0x1B8E;
	s22 =	sld [smem:$0x3FFE];
	[sflag:s21] =	ssyncadd.s32 $0xFFFFFFFF  }
0xa2: {  	s24 =	simm.s32 $execute0_lowered;
	[smem:$0x3FD2] =	sst s23  }
0xa3: {  	s2 =	sshll.u32 s24, $0x1;
	_ =	strace $0x80000049;
	[dreg:$0x1] =	wrdreg $0xFFFFFFFF  }
0xa4: {  	s25 =	simm.s32 $_size_execute0_lowered;
	s0 =	sadd.s32 s0, s2;
	[dreg:$0x0] =	wrdreg $0x0  }
0xa5: {  	s2 =	sshll.u32 s25, $0x1;
	[dreg:$0x2] =	wrdreg s0  }
0xa6: {  	[dreg:$0x3] =	wrdreg s2  }
0xa7: {  	[dreg:$0x4] =	wrdreg $0xC0  }
0xa8: {  	_ =	task [dreg:s4], $0x5FFFF  }
0xa9: {  	[dreg:$0x1] =	wrdreg $0xFFFFFFFF  }
0xaa: {  	[dreg:$0x0] =	wrdreg $0x60  }
0xab: {  	[dreg:$0x2] =	wrdreg s22  }
0xac: {  	[dreg:$0x3] =	wrdreg $0x9  }
0xad: {  	_ =	task.clear_ibuf [dreg:s4], $0x4FFFF;
	_ =	strace $0x90000049  }
0xae: {  	s26 =	simm.s32 $0x9;
	_ =	strace $0x8000004B  }
0xaf: {  	_ =	swait.ge [sflag:s26], $0x1  }
0xb0: {  	[sflag:s26] =	ssyncadd.s32 $0xFFFFFFFF  }
0xb1: {  	_ =	strace $0x9000004B  }
0xb2: {  	_ =	sfence  }
0xb3: {  	s28 =	sld [smem:$0x0];
	_ =	sdelay $0x1  }
0xb4: {  	s29 =	srdreg.scid  }
0xb5: {  	s30 =	sshll.u32 s29, $0xD;
	s31 =	sshrl.u32 s29, $0x2  }
0xb6: {  	s1 =	sand.u32 $0x1, s29;
	s2 =	sand.u32 $0x4000, s30;
	s0 =	sadd.s32 s31, s28  }
0xb7: {  	s1 =	sor.u32 s2, s1;
	s0 =	sshll.u32 s0, $0x11  }
0xb8: {  	s0 =	sor.u32 s0, s1  }
0xb9: {  	s0 =	sadd.s32 $0x8F2B, s0  }
0xba: {  	[sflag:s0] =	ssyncadd.remote.s32 $0x1  }
0xbb: {  	_ =	sfence.sel $0xFFFF  }
0xbc: {  	[dreg:$0x0] =	wrdreg $0xFFFFFFFF;
	(pc) =	sbr.abs _section_cstart, $3  }
0xbd: {  	[dreg:$0x1] =	wrdreg $0xFFFFFFFF  }
0xbe: {  	_ =	task.clear_ibuf [dreg:s4], $0x2FFFF;
	_ =	strace $0x9FFFFFFF  }
0xbf: {  	(tm) =	ssettm $0x7FFFFFFF  }
tec
execute0_lowered:
.L_overlay_start_1:
0x0: {  	(tag) =	ssettag $0x1  }
0x1: {  	s0 =	stileid.u32  }
0x2: {  	s1 =	smin.u32 s0, $0xE  }
0x3: {  	s1 =	sadd.s32 s0, s1  }
0x4: {  	s2 =	simm.s32 $0x190;
	p0 =	slt.u32 s0, $0xE;
	s1 =	smul.u32 $0xC8, s1  }
0x5: {  	s2 =	simm.s32 @!p0 $0xC8  }
0x6: {  	s2 =	sadd.s32 s2, s1  }
0x7: {  	s3 =	smin.u32 s2, $0x1770  }
0x8: {  	s7 =	ssub.s32 s3, s1  }
0x9: {  	p0 =	sgt.s32 s7, $0x0  }
0xa: {  	s7 =	simm.s32 @!p0 $0x0  }
0xb: {  	s31 =	sand.u32 $0xFFF8, s7  }
0xc: {  	s2 =	sshrl.u32 s31, $0x3  }
0xd: {  	s2 =	smul.u32 $0x147B, s2  }
0xe: {  	s4 =	rddreg [dreg:$0x0];
	s6 =	simm.s32 $0x1  }
0xf: {  	s10 =	simm.s32 $0x3;
	s13 =	simm.s32 $0x0;
	s8 =	sshrl.u32 s2, $0x11  }
0x10: {  	s12 =	simm.s32 $0x0;
	s5 =	sadd.s32 $0x400, s4;
	s9 =	smul.u32 $0xC8, s8  }
.Ltmp0:
0x11: {  	s11 =	smov.u32 s1;
	s2 =	rddreg [dreg:$0x1];
	(pc) =	sbr.rel .LBB2_1-.Ltmp0, $4  }
0x12: {  	_ =	strace $0x8000004A;
	p0 =	sne.s32 s7, s9;
	s9 =	simm.s32 $0x1  }
0x13: {  	[sflag:s6] =	ssyncpa.u1 $0x0;
	s7 =	simm.s32 $0x2;
	s9 =	simm.s32 @!p0 $0x0  }
0x14: {  	[sflag:s7] =	ssyncpa.u1 $0x0;
	p0 =	por $0x0, $0x0;
	s8 =	sadd.s32 s8, s9  }
0x15: {  	vm0 =	vmmov $0xff;
	vm1 =	vcmask $0x3F20;
	s9 =	sadd.s32 $0x17C00, s4;
	[sflag:s10] =	ssyncpa.u1 $0x0;
	s10 =	sadd.s32 $0x1, s8  }
.LBB2_6:
0x16: {  	[hbm:s17] =	stream.linear.scatter [tilespmem:s14], [sflag:$0x3], $0x400, $0x38;
	[tilespmem:$0xC990] =	vst v63  }
.LBB2_7:
0x17: {  	s13 =	sadd.s32 $0xC8, s11  }
0x18: {  	s15 =	smov.u32 s1;
	p2 =	slt.s32 s13, s3  }
0x19: {  	s15 =	smov.u32 @p2 s13;
	p2 =	sne.s32 s12, s10  }
.Ltmp1:
0x1a: {  	p1 =	slt.u32 s12, $0x2;
	(pc) =	sbr.rel @!p2 .LBB2_8-.Ltmp1, $4  }
0x1b: {  	s14 =	simm.s32 @!p1 $0x3  }
0x1c: {  	s16 =	sadd.s32 $0x1, s12;
	_ =	swait.ge @!p1 [sflag:s14], $0x6400  }
0x1d: {  	p0 =	por !p0, !p0;
	s13 =	smov.u32 s11;
	[sflag:s14] =	ssyncset.done @!p1 $0x0  }
0x1e: {  	s12 =	smov.u32 s16;
	s11 =	smov.u32 s15;
	[sflag:s14] =	ssyncadd.s32 @!p1 $0xFFFF9C00  }
.LBB2_1:
0x1f: {  	p1 =	sge.u32 s12, s8  }
0x20: {  	s14 =	sxor.u32 @!p1 $0xFFFFFFFF, s12  }
0x21: {  	s14 =	sand.u32 @!p1 $0x1, s14  }
0x22: {  	s14 =	smul.u32 @!p1 $0x320, s14  }
0x23: {  	s31 =	sadd.s32 $0xFFFFFFFF, s12;
	s15 =	sshrl.u32 @!p1 s11, $0x3  }
0x24: {  	s16 =	sand.u32 @!p1 $0x7, s11;
	s15 =	sadd.s32 @!p1 s4, s15;
	s14 =	sshrl.u32 @!p1 s14, $0x2  }
0x25: {  	[tilespmem:s14], [sflag:$0x2] =	stream.linear.gather @!p1 [hbm4b:s15+s16], $0xC8, $0x38;
	[tilespmem:$0xC990] =	vst v63  }
0x26: {  	p1 =	sge.u32 s31, s8  }
.Ltmp2:
0x27: {  	_ = 	snop;
	(pc) =	sbr.rel @p1 .LBB2_7-.Ltmp2, $1  }
0x28: {  	_ =	sdelay $0x3  }
0x29: {  	s14 =	simm.s32 $0x1  }
0x2a: {  	s14 =	simm.s32 @!p0 $0x0  }
0x2b: {  	s15 =	smul.u32 $0x320, s14  }
0x2c: {  	_ =	swait.ge [sflag:s7], $0xC8  }
0x2d: {  	[sflag:s7] =	ssyncset.done $0x0;
	s17 =	sshrl.u32 s15, $0x2  }
0x2e: {  	[sflag:s7] =	ssyncadd.s32 $0xFFFFFF38;
	s15 =	sadd.s32 $0x0, s17  }
0x2f: {  	v0 =	vld.msk [tilespmem:s15+$0x0 ss:$0x1], $0xffff;
	_ =	sdelay $0x4  }
0x30: {  	v1 =	vand.u32 $0x3, v0;
	v2 =	vshll.u32 v0, $0x5  }
0x31: {  	vm2 =	veq.s32 v0, $0x80000000;
	v0 =	vmul.u32 $0x3E800, v1;
	v1 =	vand.u32 $0x3FF80, v2  }
0x32: {  	v1 =	vsel vm2, $0xFFFFFF80, v1  }
0x33: {  	v0 =	vsel vm2, $0xFFFC1800, v0;
	v2 =	vand.u32 $0xFFFFFC00, v1  }
0x34: {  	v1 =	vand.u32 $0x380, v1;
	v0 =	vadd.s32 v0, v2  }
0x35: {  	v0 =	vor.u32 v1, v0  }
0x36: {  	v0 =	vshrl.u32 v0, $0x3  }
0x37: {  	s14 =	smul.u32 $0x19000, s14  }
0x38: {  	s31 =	sand.u32 $0x1, s12  }
0x39: {  	s16 =	smul.u32 $0x320, s31;
	s14 =	sshrl.u32 s14, $0x2  }
0x3a: {  	s19 =	smul.u32 $0x19000, s31;
	s14 =	sor.u32 $0x190, s14  }
0x3b: {  	[tilespmem:s14], [sflag:$0x1] =	stream.indirect_vreg.gather [hbm:s5], $0x80, v0, vm0, $0x38;
	[tilespmem:$0xC990] =	vst v63  }
0x3c: {  	s18 =	sshrl.u32 s16, $0x2;
	s20 =	sadd.s32 $0x10, s17;
	s15 =	sadd.s32 $0x400, s14  }
0x3d: {  	[tilespmem:s15], [sflag:$0x1] =	stream.indirect_vreg.gather [hbm:s5], $0x80, v0, vm1, $0x38;
	[tilespmem:$0xC990] =	vst v63  }
0x3e: {  	s16 =	sshrl.u32 s19, $0x2;
	s19 =	smov.u32 s14;
	v0 =	vld.msk [tilespmem:s20+$0x0 ss:$0x1], $0xffff;
	s20 =	simm.s32 $0x80  }
.LBB2_3:
0x3f: {  	p1 =	sne.s32 s20, $0x2C0;
	_ =	sdelay $0x4  }
0x40: {  	v1 =	vand.u32 $0x3, v0;
	v2 =	vshll.u32 v0, $0x5  }
0x41: {  	vm2 =	veq.s32 v0, $0x80000000;
	v0 =	vmul.u32 $0x3E800, v1;
	v1 =	vand.u32 $0x3FF80, v2  }
0x42: {  	v1 =	vsel vm2, $0xFFFFFF80, v1  }
0x43: {  	v0 =	vsel vm2, $0xFFFC1800, v0;
	v2 =	vand.u32 $0xFFFFFC00, v1  }
0x44: {  	v1 =	vand.u32 $0x380, v1;
	v0 =	vadd.s32 v0, v2  }
0x45: {  	v0 =	vor.u32 v1, v0  }
0x46: {  	v0 =	vshrl.u32 v0, $0x3;
	_ =	sdelay $0x3  }
.Ltmp3:
0x47: {  	s21 =	sshra.s32 s20, $0x2;
	s19 =	sadd.s32 $0x800, s19;
	(pc) =	sbr.rel @p1 .LBB2_3-.Ltmp3, $4  }
0x48: {  	[tilespmem:s19], [sflag:$0x1] =	stream.indirect_vreg.gather [hbm:s5], $0x80, v0, vm0, $0x38;
	[tilespmem:$0xC990] =	vst v63  }
0x49: {  	s21 =	sadd.s32 s21, s17;
	s22 =	sadd.s32 $0x400, s19  }
0x4a: {  	[tilespmem:s22], [sflag:$0x1] =	stream.indirect_vreg.gather [hbm:s5], $0x80, v0, vm1, $0x38;
	[tilespmem:$0xC990] =	vst v63  }
0x4b: {  	s20 =	sadd.s32 $0x40, s20;
	v0 =	vld.msk [tilespmem:s21+$0x0 ss:$0x1], $0xffff  }
0x4c: {  	_ =	sdelay $0x3  }
0x4d: {  	v1 =	vand.u32 $0x3, v0;
	v2 =	vshll.u32 v0, $0x5  }
0x4e: {  	vm2 =	veq.s32 v0, $0x80000000;
	v56 =	vmul.u32 $0x3E800, v1;
	v57 =	vand.u32 $0x3FF80, v2  }
0x4f: {  	v1 =	vsel vm2, $0xFFFFFF80, v57  }
0x50: {  	v0 =	vsel vm2, $0xFFFC1800, v56;
	v58 =	vand.u32 $0xFFFFFC00, v1  }
0x51: {  	v1 =	vand.u32 $0x380, v1;
	v0 =	vadd.s32 v0, v58  }
0x52: {  	v0 =	vor.u32 v1, v0  }
0x53: {  	v0 =	vshrl.u32 v0, $0x3;
	_ =	sdelay $0x3  }
0x54: {  	s17 =	sadd.s32 $0x800, s19  }
0x55: {  	[tilespmem:s17], [sflag:$0x1] =	stream.indirect_vreg.gather [hbm:s5], $0x80, v0, vm0, $0x38;
	[tilespmem:$0xC990] =	vst v63  }
0x56: {  	s17 =	sadd.s32 $0x400, s17  }
0x57: {  	[tilespmem:s17], [sflag:$0x1] =	stream.indirect_vreg.gather [hbm:s5], $0x80, v0, vm1, $0x38;
	[tilespmem:$0xC990] =	vst v63  }
0x58: {  	v0 =	vld.msk [tilespmem:s18+$0xC0 ss:$0x1], $0xff;
	_ =	sdelay $0x4  }
0x59: {  	v59 =	vand.u32 $0x3, v0;
	v60 =	vshll.u32 v0, $0x5  }
0x5a: {  	vm2 =	veq.s32 v0, $0x80000000;
	v61 =	vmul.u32 $0x3E800, v59;
	v62 =	vand.u32 $0x3FF80, v60  }
0x5b: {  	v1 =	vsel vm2, $0xFFFFFF80, v62  }
0x5c: {  	v0 =	vsel vm2, $0xFFFC1800, v61;
	v63 =	vand.u32 $0xFFFFFC00, v1  }
0x5d: {  	v1 =	vand.u32 $0x380, v1;
	v0 =	vadd.s32 v0, v63  }
0x5e: {  	v0 =	vor.u32 v1, v0  }
0x5f: {  	v0 =	vshrl.u32 v0, $0x3;
	_ =	sdelay $0x3  }
0x60: {  	s16 =	sadd.s32 $0x6190, s16  }
0x61: {  	[tilespmem:s16], [sflag:$0x1] =	stream.indirect_vreg.gather [hbm:s5], $0x80, v0, vm0, $0x38;
	[tilespmem:$0xC990] =	vst v63  }
0x62: {  	s13 =	sshll.u32 s13, $0x4;
	_ =	swait.ge [sflag:s6], $0x6400  }
0x63: {  	s13 =	sadd.s32 s13, s9;
	[sflag:s6] =	ssyncset.done $0x0  }
0x64: {  	s17 =	sadd.s32 $0x0, s13;
	s16 =	simm.s32 $0x80;
	[sflag:s6] =	ssyncadd.s32 $0xFFFF9C00  }
.LBB2_5:
0x65: {  	[hbm:s17] =	stream.linear.scatter [tilespmem:s14], [sflag:$0x3], $0x400, $0x38;
	[tilespmem:$0xC990] =	vst v63  }
0x66: {  	s17 =	smov.u32 s16;
	s14 =	smov.u32 s15;
	p1 =	sne.s32 s16, $0xC00  }
.Ltmp4:
0x67: {  	s16 =	sadd.s32 $0x80, s16;
	(pc) =	sbr.rel @p1 .LBB2_5-.Ltmp4, $2  }
0x68: {  	_ =	sdelay $0x2  }
0x69: {  	s15 =	sadd.s32 $0x400, s15;
	s17 =	sadd.s32 s17, s13  }
.Ltmp5:
0x6a: {  	_ = 	snop;
	(pc) =	sbr.rel .LBB2_6-.Ltmp5, $1  }
0x6b: {  	_ =	sdelay $0x3  }
.LBB2_8:
0x6c: {  	_ =	sfence.sel $0x180000  }
0x6d: {  	s1 =	simm.s32 $0x2;
	[bflag:$0x0] =	sbarrier.arrive $0xFFFF  }
0x6e: {  	s30 =	simm.s32 $0x3;
	[sflag:s1] =	ssyncpa.u1 $0x1  }
0x6f: {  	s31 =	simm.s32 $0x1;
	[sflag:s30] =	ssyncpa.u1 $0x1  }
0x70: {  	[sflag:s31] =	ssyncpa.u1 $0x1  }
0x71: {  	p0 =	sne.s32 s0, $0x0;
	_ =	strace $0x9000004A  }
0x72: {  	s0 =	sadd.s32 @!p0 $0x100000, s2;
	[bflag:$0x2] =	sbarrier.arrive $0xFFFF  }
0x73: {  	[sflag:s0] =	ssyncadd.tile.s32 @!p0 $0x1;
	_ =	shalt  }
.Lfunc_end2:
_tile_overlayer_lowered:
.L_overlay_start_2:
0x74: {  	(tag) =	ssettag $0x2  }
0x75: {  	s0 =	rddreg [dreg:$0x0];
	s2 =	stileid.u32  }
0x76: {  	s1 =	rddreg [dreg:$0x1];
	p0 =	sne.s32 s2, $0x0  }
0x77: {  	s3 =	rddreg [dreg:$0x2];
	[bflag:$0x3] =	sbarrier.arrive $0xFFFF;
	s2 =	simm.s32 @!p0 $0x1C01  }
0x78: {  	[timem:s3], [sflag:s2] =	dma.local @!p0 [hbm:s0], s1  }
0x79: {  	s0 =	simm.s32 @!p0 $0x1  }
0x7a: {  	_ =	swait.ge @!p0 [sflag:s0], s1  }
0x7b: {  	s1 =	ssub.s32 @!p0 $0x0, s1;
	[sflag:s0] =	ssyncset.done @!p0 $0x0  }
0x7c: {  	[sflag:s0] =	ssyncadd.s32 @!p0 s1  }
0x7d: {  	[bflag:$0x3] =	sbarrier.arrive $0xFFFF  }
0x7e: {  	_ =	shalt  }

</sc_bundles>
